<compile_context>
chip_gen: v7x
topology: tpu7x:2x2x1
jax: 0.10.2.dev20260603
libtpu: 0.0.44.dev20260713+nightly
codegen_flags: <defaults>
</compile_context>

<pallas_src>
import functools

import jax
import jax.numpy as jnp
from jax import lax
from jax.experimental import pallas as pl
from jax.experimental.pallas import tpu as pltpu
from jax.experimental.pallas import tpu_sc as plsc

N_NODES = 1000000
MEM_DIM = 64
MSG_DIM = 128
BATCH = 16384

NC = 2
NS = 16
NW = NC * NS
BPW = BATCH // NW
CH = 128
NCH = BPW // CH
IDX_ROWS = BATCH // CH

TB = 8192
T_GRID = (N_NODES + 2 * TB - 1) // (2 * TB)
PACK_ROWS = T_GRID * TB
N_LIN = 2 * PACK_ROWS


def _wid():
    return lax.axis_index("s") * NC + lax.axis_index("c")


@functools.cache
def _make_sc_gather():
    mesh = plsc.VectorSubcoreMesh(
        core_axis_name="c", subcore_axis_name="s", num_cores=NC, num_subcores=NS
    )

    @functools.partial(
        pl.kernel,
        mesh=mesh,
        out_type=jax.ShapeDtypeStruct((BATCH, MEM_DIM), jnp.float32),
        scratch_types=[
            pltpu.VMEM((NCH, CH), jnp.int32),
            pltpu.VMEM((BPW, MEM_DIM), jnp.float32),
            pltpu.SemaphoreType.DMA,
        ],
        compiler_params=pltpu.CompilerParams(use_tc_tiling_on_sc=False),
    )
    def _sc_gather(table_hbm, idx_hbm, out_hbm, idx_v, rows_v, sem):
        wid = _wid()
        base = wid * NCH
        pltpu.sync_copy(idx_hbm.at[pl.ds(base, NCH)], idx_v)
        cps = [
            pltpu.async_copy(
                table_hbm.at[idx_v.at[j]], rows_v.at[pl.ds(j * CH, CH)], sem
            )
            for j in range(NCH)
        ]
        for cp in cps:
            cp.wait()
        pltpu.sync_copy(rows_v, out_hbm.at[pl.ds(wid * BPW, BPW)])

    return _sc_gather


@functools.cache
def _make_sc_scatter():
    mesh = plsc.VectorSubcoreMesh(
        core_axis_name="c", subcore_axis_name="s", num_cores=NC, num_subcores=NS
    )

    @functools.partial(
        pl.kernel,
        mesh=mesh,
        out_type=jax.ShapeDtypeStruct((8,), jnp.int32),
        scratch_types=[
            pltpu.VMEM((NCH, CH), jnp.int32),
            pltpu.VMEM((NCH, CH), jnp.int32),
            pltpu.VMEM((NCH, CH), jnp.int32),
            pltpu.VMEM((CH, MEM_DIM), jnp.float32),
            pltpu.VMEM((CH,), jnp.float32),
            pltpu.SemaphoreType.DMA,
        ],
        compiler_params=pltpu.CompilerParams(use_tc_tiling_on_sc=False),
    )
    def _sc_scatter(sig_hbm, nid_hbm, w_hbm, upd_hbm, lu_vals_hbm, mem_ref,
                    lu_ref, dummy_out, sig_v, nid_v, w_v, rows_v, luv_v, sem):
        wid = _wid()
        base = wid * NCH
        pltpu.sync_copy(sig_hbm.at[pl.ds(base, NCH)], sig_v)
        pltpu.sync_copy(nid_hbm.at[pl.ds(base, NCH)], nid_v)
        pltpu.sync_copy(w_hbm.at[pl.ds(base, NCH)], w_v)
        pltpu.sync_copy(lu_vals_hbm, luv_v)
        for j in range(NCH):
            pltpu.async_copy(upd_hbm.at[w_v.at[j]], rows_v, sem).wait()
            pltpu.async_copy(rows_v, mem_ref.at[sig_v.at[j]], sem).wait()
            pltpu.async_copy(luv_v, lu_ref.at[nid_v.at[j]], sem).wait()

    return _sc_scatter


def _detile_body(in_ref, eye_ref, out_ref):
    x = in_ref[...]
    x2 = jnp.concatenate([x[:, 0:TB], x[:, TB:2 * TB]], axis=0)
    out_ref[...] = lax.dot_general(
        x2, eye_ref[...], (((0,), (0,)), ((), ())),
        preferred_element_type=jnp.float32)


def _retile_body(in_ref, eye_ref, out_ref):
    y = lax.dot_general(
        eye_ref[...], in_ref[...], (((1,), (1,)), ((), ())),
        preferred_element_type=jnp.float32)
    out_ref[...] = jnp.concatenate([y[0:MEM_DIM, :], y[MEM_DIM:, :]], axis=1)


def _detile(mem_t, eye128):
    return pl.pallas_call(
        _detile_body,
        grid=(T_GRID,),
        in_specs=[
            pl.BlockSpec((MEM_DIM, 2 * TB), lambda i: (0, i)),
            pl.BlockSpec((128, 128), lambda i: (0, 0)),
        ],
        out_specs=pl.BlockSpec((TB, 128), lambda i: (i, 0)),
        out_shape=jax.ShapeDtypeStruct((PACK_ROWS, 128), jnp.float32),
    )(mem_t, eye128)


def _retile(packed, eye128):
    return pl.pallas_call(
        _retile_body,
        grid=(T_GRID,),
        in_specs=[
            pl.BlockSpec((TB, 128), lambda i: (i, 0)),
            pl.BlockSpec((128, 128), lambda i: (0, 0)),
        ],
        out_specs=pl.BlockSpec((MEM_DIM, 2 * TB), lambda i: (0, i)),
        out_shape=jax.ShapeDtypeStruct((MEM_DIM, N_NODES), jnp.float32),
    )(packed, eye128)


def _gru_body(msg_ref, h_ref, wr, wz, wn, ur, uz, un, brz, bni, bnh, out_ref):
    msg = msg_ref[...]
    h = h_ref[...]
    gi_r = jnp.dot(msg, wr[...], preferred_element_type=jnp.float32)
    gi_z = jnp.dot(msg, wz[...], preferred_element_type=jnp.float32)
    gi_n = jnp.dot(msg, wn[...], preferred_element_type=jnp.float32)
    gh_r = jnp.dot(h, ur[...], preferred_element_type=jnp.float32)
    gh_z = jnp.dot(h, uz[...], preferred_element_type=jnp.float32)
    gh_n = jnp.dot(h, un[...], preferred_element_type=jnp.float32)
    r = jax.nn.sigmoid(gi_r + gh_r + brz[0:1, 0:MEM_DIM])
    z = jax.nn.sigmoid(gi_z + gh_z + brz[0:1, MEM_DIM:2 * MEM_DIM])
    n = jnp.tanh(gi_n + bni[...] + r * (gh_n + bnh[...]))
    out_ref[...] = (1.0 - z) * n + z * h


_GRU_BB = 2048


def _tc_gru(msg, h, wr, wz, wn, ur, uz, un, brz, bni, bnh):
    grid = (BATCH // _GRU_BB,)
    full = lambda i: (0, 0)
    return pl.pallas_call(
        _gru_body,
        grid=grid,
        in_specs=[
            pl.BlockSpec((_GRU_BB, MSG_DIM), lambda i: (i, 0)),
            pl.BlockSpec((_GRU_BB, MEM_DIM), lambda i: (i, 0)),
            pl.BlockSpec((MSG_DIM, MEM_DIM), full),
            pl.BlockSpec((MSG_DIM, MEM_DIM), full),
            pl.BlockSpec((MSG_DIM, MEM_DIM), full),
            pl.BlockSpec((MEM_DIM, MEM_DIM), full),
            pl.BlockSpec((MEM_DIM, MEM_DIM), full),
            pl.BlockSpec((MEM_DIM, MEM_DIM), full),
            pl.BlockSpec((1, 2 * MEM_DIM), full),
            pl.BlockSpec((1, MEM_DIM), full),
            pl.BlockSpec((1, MEM_DIM), full),
        ],
        out_specs=pl.BlockSpec((_GRU_BB, MEM_DIM), lambda i: (i, 0)),
        out_shape=jax.ShapeDtypeStruct((BATCH, MEM_DIM), jnp.float32),
    )(msg, h, wr, wz, wn, ur, uz, un, brz, bni, bnh)


def kernel(memory, last_update, unique_nids, unique_msg, time, W_ih, W_hh, b_ih, b_hh):
    nids = jnp.asarray(unique_nids, jnp.int32)
    idx2d = nids.reshape(IDX_ROWS, CH)
    slab = nids // TB
    sig = 2 * ((slab >> 1) * TB + (nids % TB)) + (slab & 1)
    sig2d = sig.reshape(IDX_ROWS, CH)

    eye128 = jnp.eye(128, dtype=jnp.float32)

    packed = _detile(memory.T, eye128)
    mem_lin = packed.reshape(N_LIN, MEM_DIM)

    mem_ref = jax.new_ref(mem_lin)
    lu_ref = jax.new_ref(last_update)

    h = _make_sc_gather()(mem_ref, sig2d)

    wr = W_ih[0:MEM_DIM].T
    wz = W_ih[MEM_DIM:2 * MEM_DIM].T
    wn = W_ih[2 * MEM_DIM:].T
    ur = W_hh[0:MEM_DIM].T
    uz = W_hh[MEM_DIM:2 * MEM_DIM].T
    un = W_hh[2 * MEM_DIM:].T
    brz = (b_ih[0:2 * MEM_DIM] + b_hh[0:2 * MEM_DIM]).reshape(1, 2 * MEM_DIM)
    bni = b_ih[2 * MEM_DIM:].reshape(1, MEM_DIM)
    bnh = b_hh[2 * MEM_DIM:].reshape(1, MEM_DIM)

    upd = _tc_gru(unique_msg, h, wr, wz, wn, ur, uz, un, brz, bni, bnh)

    arange = jnp.arange(BATCH, dtype=jnp.int32)
    pos = jnp.zeros((N_NODES,), jnp.int32).at[nids].set(arange)
    w2d = pos[nids].reshape(IDX_ROWS, CH)

    lu_vals = jnp.full((CH,), time, dtype=jnp.float32)

    _make_sc_scatter()(sig2d, idx2d, w2d, upd, lu_vals, mem_ref, lu_ref)

    out_lin = jax.freeze(mem_ref)
    new_memory = _retile(out_lin.reshape(PACK_ROWS, 128), eye128).T
    return new_memory, jax.freeze(lu_ref)

# --- scband reference (transcript-rebuilt; emitter-appended) ---
"""Pipeline reference for scband-tgn-55748675502602 (READ-ONLY COPY).

The authoritative reference and input builder live on the scoring server;
editing this copy changes nothing except your own understanding.
"""

import jax, jax.numpy as jnp
import numpy as np

N_NODES = 1000000
MEM_DIM = 64
MSG_DIM = 128
BATCH = 16384
TIME = 1000


def setup_inputs(seed: int = 0) -> dict:
    key = jax.random.key(seed)
    ks = jax.random.split(key, 8)
    memory = jax.random.normal(ks[0], (N_NODES, MEM_DIM), dtype=jnp.float32)
    last_update = jnp.zeros((N_NODES,), dtype=jnp.float32)
    unique_nids = jax.random.randint(ks[1], (BATCH,), 0, N_NODES, dtype=jnp.int64 if jax.config.jax_enable_x64 else jnp.int32)
    unique_msg = jax.random.normal(ks[2], (BATCH, MSG_DIM), dtype=jnp.float32)
    s = 1.0 / np.sqrt(MEM_DIM)
    W_ih = jax.random.uniform(ks[3], (3 * MEM_DIM, MSG_DIM), dtype=jnp.float32, minval=-s, maxval=s)
    W_hh = jax.random.uniform(ks[4], (3 * MEM_DIM, MEM_DIM), dtype=jnp.float32, minval=-s, maxval=s)
    b_ih = jax.random.uniform(ks[5], (3 * MEM_DIM,), dtype=jnp.float32, minval=-s, maxval=s)
    b_hh = jax.random.uniform(ks[6], (3 * MEM_DIM,), dtype=jnp.float32, minval=-s, maxval=s)
    return {
        "memory": memory,
        "last_update": last_update,
        "unique_nids": unique_nids,
        "unique_msg": unique_msg,
        "time": TIME,
        "W_ih": W_ih,
        "W_hh": W_hh,
        "b_ih": b_ih,
        "b_hh": b_hh,
    }


def _gru_cell(x, h, W_ih, W_hh, b_ih, b_hh):
    # Faithful torch.nn.GRUCell math
    gi = x @ W_ih.T + b_ih
    gh = h @ W_hh.T + b_hh
    i_r, i_z, i_n = jnp.split(gi, 3, axis=1)
    h_r, h_z, h_n = jnp.split(gh, 3, axis=1)
    r = jax.nn.sigmoid(i_r + h_r)
    z = jax.nn.sigmoid(i_z + h_z)
    n = jnp.tanh(i_n + r * h_n)
    return (1.0 - z) * n + z * h


def reference(memory, last_update, unique_nids, unique_msg, time, W_ih, W_hh, b_ih, b_hh):
    # GRUMemoryUpdater.update / get_updated_memory:
    #   gather memory rows -> GRUCell update -> scatter-set back; scatter-set last_update to `time`.
    h = jnp.take(memory, unique_nids, axis=0)
    updated = _gru_cell(unique_msg, h, W_ih, W_hh, b_ih, b_hh)
    new_memory = memory.at[unique_nids].set(updated)
    new_last_update = last_update.at[unique_nids].set(jnp.float32(time))
    return (new_memory, new_last_update)

if __name__ == "__main__":
    import jax
    _d = setup_inputs()
    print(jax.jit(kernel)(*tuple(_d.values())))

</pallas_src>

<mosaic_0001>
#map = affine_map<(d0, d1) -> (0, 0)>
module attributes {stable_mosaic.version = 14 : i64} {
  func.func @new_body(%arg0: i32, %arg1: i32, %arg2: memref<1015808x64xf32, #tpu.memory_space<hbm>>, %arg3: memref<128x128xi32, #tpu.memory_space<hbm>>, %arg4: memref<16384x64xf32, #tpu.memory_space<hbm>>, %arg5: memref<1015808x64xf32, #tpu.memory_space<hbm>>, %arg6: memref<4x128xi32, #tpu.memory_space<vmem>>, %arg7: memref<512x64xf32, #tpu.memory_space<vmem>>, %arg8: memref<!tpu.dma_semaphore, #tpu.memory_space<semaphore_mem>>) attributes {dimension_semantics = [#tpu.dimension_semantics<core_parallel>, #tpu.dimension_semantics<subcore_parallel>], iteration_bounds = array<i64: 2, 16>, scalar_prefetch = 0 : i64, scratch_operands = 3 : i64, tpu.core_type = #tpu.core_type<sc_vector_subcore>, window_params = [{transform_indices = #map}, {transform_indices = #map}, {transform_indices = #map}, {transform_indices = #map}]} {
    %mul3A = arith.constant 2 : i32
    %mul3A_0 = arith.muli %arg1, %mul3A : i32
    %add3A = arith.addi %mul3A_0, %arg0 : i32
    %mul3A_1 = arith.constant 4 : i32
    %mul3A_2 = arith.muli %add3A, %mul3A_1 : i32
    "tpu.region"() ({
      %run_scoped3A = tpu.sem_alloc : memref<!tpu.dma_semaphore, #tpu.memory_space<semaphore_mem>>
      %dma_start3A_83 = arith.constant 0 : i32
      %dma_start3A_84 = tpu.memref_slice %arg3[%mul3A_2, %dma_start3A_83] : memref<128x128xi32, #tpu.memory_space<hbm>> -> memref<4x128xi32, #tpu.memory_space<hbm>>
      %dma_start3A_85 = arith.constant 0 : i32
      %dma_start3A_86 = tpu.memref_slice %arg3[%mul3A_2, %dma_start3A_85] : memref<128x128xi32, #tpu.memory_space<hbm>> -> memref<4x128xi32, #tpu.memory_space<hbm>>
      tpu.enqueue_dma source(%dma_start3A_86 : memref<4x128xi32, #tpu.memory_space<hbm>>) target(%arg6 : memref<4x128xi32, #tpu.memory_space<vmem>>) target_semaphore(%run_scoped3A : memref<!tpu.dma_semaphore, #tpu.memory_space<semaphore_mem>>)
      %dma_wait3A_87 = arith.constant 0 : i32
      %dma_wait3A_88 = tpu.memref_slice %arg3[%mul3A_2, %dma_wait3A_87] : memref<128x128xi32, #tpu.memory_space<hbm>> -> memref<4x128xi32, #tpu.memory_space<hbm>>
      %dma_wait3A_89 = arith.constant 0 : i32
      %dma_wait3A_90 = tpu.memref_slice %arg3[%mul3A_2, %dma_wait3A_89] : memref<128x128xi32, #tpu.memory_space<hbm>> -> memref<4x128xi32, #tpu.memory_space<hbm>>
      tpu.wait_dma2 semaphore(%run_scoped3A : memref<!tpu.dma_semaphore, #tpu.memory_space<semaphore_mem>>) src(%dma_wait3A_90 : memref<4x128xi32, #tpu.memory_space<hbm>>) dst(%arg6 : memref<4x128xi32, #tpu.memory_space<vmem>>)
      tpu.yield
    }) : () -> ()
    %dma_start3A = arith.constant 0 : i32
    %dma_start3A_3 = arith.constant 0 : i32
    %dma_start3A_4 = arith.constant 0 : i32
    %dma_start3A_5 = tpu.memref_slice %arg7[%dma_start3A_3, %dma_start3A_4] : memref<512x64xf32, #tpu.memory_space<vmem>> -> memref<128x64xf32, #tpu.memory_space<vmem>>
    %dma_start3A_6 = arith.constant 0 : i32
    %dma_start3A_7 = tpu.memref_slice %arg6[%dma_start3A, %dma_start3A_6] : memref<4x128xi32, #tpu.memory_space<vmem>> -> memref<1x128xi32, #tpu.memory_space<vmem>>
    %dma_start3A_8 = tpu.memref_squeeze %dma_start3A_7 : memref<1x128xi32, #tpu.memory_space<vmem>> -> memref<128xi32, #tpu.memory_space<vmem>>
    %dma_start3A_9 = arith.constant 0 : i32
    %dma_start3A_10 = arith.constant 0 : i32
    %dma_start3A_11 = tpu.memref_slice %arg2[%dma_start3A_9, %dma_start3A_10] : memref<1015808x64xf32, #tpu.memory_space<hbm>> -> memref<1015808x64xf32, #tpu.memory_space<hbm>>
    tpu.enqueue_indirect_dma source(%dma_start3A_11 : memref<1015808x64xf32, #tpu.memory_space<hbm>>) target(%dma_start3A_5 : memref<128x64xf32, #tpu.memory_space<vmem>>) offsets(%dma_start3A_8 : memref<128xi32, #tpu.memory_space<vmem>>) semaphore(%arg8 : memref<!tpu.dma_semaphore, #tpu.memory_space<semaphore_mem>>)
    %dma_start3A_12 = arith.constant 1 : i32
    %dma_start3A_13 = arith.constant 128 : i32
    %dma_start3A_14 = arith.constant 0 : i32
    %dma_start3A_15 = tpu.memref_slice %arg7[%dma_start3A_13, %dma_start3A_14] : memref<512x64xf32, #tpu.memory_space<vmem>> -> memref<128x64xf32, #tpu.memory_space<vmem>>
    %dma_start3A_16 = arith.constant 0 : i32
    %dma_start3A_17 = tpu.memref_slice %arg6[%dma_start3A_12, %dma_start3A_16] : memref<4x128xi32, #tpu.memory_space<vmem>> -> memref<1x128xi32, #tpu.memory_space<vmem>>
    %dma_start3A_18 = tpu.memref_squeeze %dma_start3A_17 : memref<1x128xi32, #tpu.memory_space<vmem>> -> memref<128xi32, #tpu.memory_space<vmem>>
    %dma_start3A_19 = arith.constant 0 : i32
    %dma_start3A_20 = arith.constant 0 : i32
    %dma_start3A_21 = tpu.memref_slice %arg2[%dma_start3A_19, %dma_start3A_20] : memref<1015808x64xf32, #tpu.memory_space<hbm>> -> memref<1015808x64xf32, #tpu.memory_space<hbm>>
    tpu.enqueue_indirect_dma source(%dma_start3A_21 : memref<1015808x64xf32, #tpu.memory_space<hbm>>) target(%dma_start3A_15 : memref<128x64xf32, #tpu.memory_space<vmem>>) offsets(%dma_start3A_18 : memref<128xi32, #tpu.memory_space<vmem>>) semaphore(%arg8 : memref<!tpu.dma_semaphore, #tpu.memory_space<semaphore_mem>>)
    %dma_start3A_22 = arith.constant 2 : i32
    %dma_start3A_23 = arith.constant 256 : i32
    %dma_start3A_24 = arith.constant 0 : i32
    %dma_start3A_25 = tpu.memref_slice %arg7[%dma_start3A_23, %dma_start3A_24] : memref<512x64xf32, #tpu.memory_space<vmem>> -> memref<128x64xf32, #tpu.memory_space<vmem>>
    %dma_start3A_26 = arith.constant 0 : i32
    %dma_start3A_27 = tpu.memref_slice %arg6[%dma_start3A_22, %dma_start3A_26] : memref<4x128xi32, #tpu.memory_space<vmem>> -> memref<1x128xi32, #tpu.memory_space<vmem>>
    %dma_start3A_28 = tpu.memref_squeeze %dma_start3A_27 : memref<1x128xi32, #tpu.memory_space<vmem>> -> memref<128xi32, #tpu.memory_space<vmem>>
    %dma_start3A_29 = arith.constant 0 : i32
    %dma_start3A_30 = arith.constant 0 : i32
    %dma_start3A_31 = tpu.memref_slice %arg2[%dma_start3A_29, %dma_start3A_30] : memref<1015808x64xf32, #tpu.memory_space<hbm>> -> memref<1015808x64xf32, #tpu.memory_space<hbm>>
    tpu.enqueue_indirect_dma source(%dma_start3A_31 : memref<1015808x64xf32, #tpu.memory_space<hbm>>) target(%dma_start3A_25 : memref<128x64xf32, #tpu.memory_space<vmem>>) offsets(%dma_start3A_28 : memref<128xi32, #tpu.memory_space<vmem>>) semaphore(%arg8 : memref<!tpu.dma_semaphore, #tpu.memory_space<semaphore_mem>>)
    %dma_start3A_32 = arith.constant 3 : i32
    %dma_start3A_33 = arith.constant 384 : i32
    %dma_start3A_34 = arith.constant 0 : i32
    %dma_start3A_35 = tpu.memref_slice %arg7[%dma_start3A_33, %dma_start3A_34] : memref<512x64xf32, #tpu.memory_space<vmem>> -> memref<128x64xf32, #tpu.memory_space<vmem>>
    %dma_start3A_36 = arith.constant 0 : i32
    %dma_start3A_37 = tpu.memref_slice %arg6[%dma_start3A_32, %dma_start3A_36] : memref<4x128xi32, #tpu.memory_space<vmem>> -> memref<1x128xi32, #tpu.memory_space<vmem>>
    %dma_start3A_38 = tpu.memref_squeeze %dma_start3A_37 : memref<1x128xi32, #tpu.memory_space<vmem>> -> memref<128xi32, #tpu.memory_space<vmem>>
    %dma_start3A_39 = arith.constant 0 : i32
    %dma_start3A_40 = arith.constant 0 : i32
    %dma_start3A_41 = tpu.memref_slice %arg2[%dma_start3A_39, %dma_start3A_40] : memref<1015808x64xf32, #tpu.memory_space<hbm>> -> memref<1015808x64xf32, #tpu.memory_space<hbm>>
    tpu.enqueue_indirect_dma source(%dma_start3A_41 : memref<1015808x64xf32, #tpu.memory_space<hbm>>) target(%dma_start3A_35 : memref<128x64xf32, #tpu.memory_space<vmem>>) offsets(%dma_start3A_38 : memref<128xi32, #tpu.memory_space<vmem>>) semaphore(%arg8 : memref<!tpu.dma_semaphore, #tpu.memory_space<semaphore_mem>>)
    %dma_wait3A = arith.constant 0 : i32
    %dma_wait3A_42 = arith.constant 0 : i32
    %dma_wait3A_43 = arith.constant 0 : i32
    %dma_wait3A_44 = tpu.memref_slice %arg7[%dma_wait3A_42, %dma_wait3A_43] : memref<512x64xf32, #tpu.memory_space<vmem>> -> memref<128x64xf32, #tpu.memory_space<vmem>>
    %dma_wait3A_45 = arith.constant 0 : i32
    %dma_wait3A_46 = tpu.memref_slice %arg6[%dma_wait3A, %dma_wait3A_45] : memref<4x128xi32, #tpu.memory_space<vmem>> -> memref<1x128xi32, #tpu.memory_space<vmem>>
    %dma_wait3A_47 = tpu.memref_squeeze %dma_wait3A_46 : memref<1x128xi32, #tpu.memory_space<vmem>> -> memref<128xi32, #tpu.memory_space<vmem>>
    %dma_wait3A_48 = arith.constant 0 : i32
    %dma_wait3A_49 = arith.constant 0 : i32
    %dma_wait3A_50 = tpu.memref_slice %arg2[%dma_wait3A_48, %dma_wait3A_49] : memref<1015808x64xf32, #tpu.memory_space<hbm>> -> memref<1015808x64xf32, #tpu.memory_space<hbm>>
    tpu.wait_indirect_dma semaphore(%arg8 : memref<!tpu.dma_semaphore, #tpu.memory_space<semaphore_mem>>) src(%dma_wait3A_50 : memref<1015808x64xf32, #tpu.memory_space<hbm>>) dst(%dma_wait3A_44 : memref<128x64xf32, #tpu.memory_space<vmem>>)
    %dma_wait3A_51 = arith.constant 1 : i32
    %dma_wait3A_52 = arith.constant 128 : i32
    %dma_wait3A_53 = arith.constant 0 : i32
    %dma_wait3A_54 = tpu.memref_slice %arg7[%dma_wait3A_52, %dma_wait3A_53] : memref<512x64xf32, #tpu.memory_space<vmem>> -> memref<128x64xf32, #tpu.memory_space<vmem>>
    %dma_wait3A_55 = arith.constant 0 : i32
    %dma_wait3A_56 = tpu.memref_slice %arg6[%dma_wait3A_51, %dma_wait3A_55] : memref<4x128xi32, #tpu.memory_space<vmem>> -> memref<1x128xi32, #tpu.memory_space<vmem>>
    %dma_wait3A_57 = tpu.memref_squeeze %dma_wait3A_56 : memref<1x128xi32, #tpu.memory_space<vmem>> -> memref<128xi32, #tpu.memory_space<vmem>>
    %dma_wait3A_58 = arith.constant 0 : i32
    %dma_wait3A_59 = arith.constant 0 : i32
    %dma_wait3A_60 = tpu.memref_slice %arg2[%dma_wait3A_58, %dma_wait3A_59] : memref<1015808x64xf32, #tpu.memory_space<hbm>> -> memref<1015808x64xf32, #tpu.memory_space<hbm>>
    tpu.wait_indirect_dma semaphore(%arg8 : memref<!tpu.dma_semaphore, #tpu.memory_space<semaphore_mem>>) src(%dma_wait3A_60 : memref<1015808x64xf32, #tpu.memory_space<hbm>>) dst(%dma_wait3A_54 : memref<128x64xf32, #tpu.memory_space<vmem>>)
    %dma_wait3A_61 = arith.constant 2 : i32
    %dma_wait3A_62 = arith.constant 256 : i32
    %dma_wait3A_63 = arith.constant 0 : i32
    %dma_wait3A_64 = tpu.memref_slice %arg7[%dma_wait3A_62, %dma_wait3A_63] : memref<512x64xf32, #tpu.memory_space<vmem>> -> memref<128x64xf32, #tpu.memory_space<vmem>>
    %dma_wait3A_65 = arith.constant 0 : i32
    %dma_wait3A_66 = tpu.memref_slice %arg6[%dma_wait3A_61, %dma_wait3A_65] : memref<4x128xi32, #tpu.memory_space<vmem>> -> memref<1x128xi32, #tpu.memory_space<vmem>>
    %dma_wait3A_67 = tpu.memref_squeeze %dma_wait3A_66 : memref<1x128xi32, #tpu.memory_space<vmem>> -> memref<128xi32, #tpu.memory_space<vmem>>
    %dma_wait3A_68 = arith.constant 0 : i32
    %dma_wait3A_69 = arith.constant 0 : i32
    %dma_wait3A_70 = tpu.memref_slice %arg2[%dma_wait3A_68, %dma_wait3A_69] : memref<1015808x64xf32, #tpu.memory_space<hbm>> -> memref<1015808x64xf32, #tpu.memory_space<hbm>>
    tpu.wait_indirect_dma semaphore(%arg8 : memref<!tpu.dma_semaphore, #tpu.memory_space<semaphore_mem>>) src(%dma_wait3A_70 : memref<1015808x64xf32, #tpu.memory_space<hbm>>) dst(%dma_wait3A_64 : memref<128x64xf32, #tpu.memory_space<vmem>>)
    %dma_wait3A_71 = arith.constant 3 : i32
    %dma_wait3A_72 = arith.constant 384 : i32
    %dma_wait3A_73 = arith.constant 0 : i32
    %dma_wait3A_74 = tpu.memref_slice %arg7[%dma_wait3A_72, %dma_wait3A_73] : memref<512x64xf32, #tpu.memory_space<vmem>> -> memref<128x64xf32, #tpu.memory_space<vmem>>
    %dma_wait3A_75 = arith.constant 0 : i32
    %dma_wait3A_76 = tpu.memref_slice %arg6[%dma_wait3A_71, %dma_wait3A_75] : memref<4x128xi32, #tpu.memory_space<vmem>> -> memref<1x128xi32, #tpu.memory_space<vmem>>
    %dma_wait3A_77 = tpu.memref_squeeze %dma_wait3A_76 : memref<1x128xi32, #tpu.memory_space<vmem>> -> memref<128xi32, #tpu.memory_space<vmem>>
    %dma_wait3A_78 = arith.constant 0 : i32
    %dma_wait3A_79 = arith.constant 0 : i32
    %dma_wait3A_80 = tpu.memref_slice %arg2[%dma_wait3A_78, %dma_wait3A_79] : memref<1015808x64xf32, #tpu.memory_space<hbm>> -> memref<1015808x64xf32, #tpu.memory_space<hbm>>
    tpu.wait_indirect_dma semaphore(%arg8 : memref<!tpu.dma_semaphore, #tpu.memory_space<semaphore_mem>>) src(%dma_wait3A_80 : memref<1015808x64xf32, #tpu.memory_space<hbm>>) dst(%dma_wait3A_74 : memref<128x64xf32, #tpu.memory_space<vmem>>)
    %mul3A_81 = arith.constant 512 : i32
    %mul3A_82 = arith.muli %add3A, %mul3A_81 : i32
    "tpu.region"() ({
      %run_scoped3A = tpu.sem_alloc : memref<!tpu.dma_semaphore, #tpu.memory_space<semaphore_mem>>
      %dma_start3A_83 = arith.constant 0 : i32
      %dma_start3A_84 = tpu.memref_slice %arg4[%mul3A_82, %dma_start3A_83] : memref<16384x64xf32, #tpu.memory_space<hbm>> -> memref<512x64xf32, #tpu.memory_space<hbm>>
      %dma_start3A_85 = arith.constant 0 : i32
      %dma_start3A_86 = tpu.memref_slice %arg4[%mul3A_82, %dma_start3A_85] : memref<16384x64xf32, #tpu.memory_space<hbm>> -> memref<512x64xf32, #tpu.memory_space<hbm>>
      tpu.enqueue_dma source(%arg7 : memref<512x64xf32, #tpu.memory_space<vmem>>) target(%dma_start3A_86 : memref<512x64xf32, #tpu.memory_space<hbm>>) target_semaphore(%run_scoped3A : memref<!tpu.dma_semaphore, #tpu.memory_space<semaphore_mem>>)
      %dma_wait3A_87 = arith.constant 0 : i32
      %dma_wait3A_88 = tpu.memref_slice %arg4[%mul3A_82, %dma_wait3A_87] : memref<16384x64xf32, #tpu.memory_space<hbm>> -> memref<512x64xf32, #tpu.memory_space<hbm>>
      %dma_wait3A_89 = arith.constant 0 : i32
      %dma_wait3A_90 = tpu.memref_slice %arg4[%mul3A_82, %dma_wait3A_89] : memref<16384x64xf32, #tpu.memory_space<hbm>> -> memref<512x64xf32, #tpu.memory_space<hbm>>
      tpu.wait_dma2 semaphore(%run_scoped3A : memref<!tpu.dma_semaphore, #tpu.memory_space<semaphore_mem>>) src(%arg7 : memref<512x64xf32, #tpu.memory_space<vmem>>) dst(%dma_wait3A_90 : memref<512x64xf32, #tpu.memory_space<hbm>>)
      tpu.yield
    }) : () -> ()
    return
  }
}

#map = affine_map<(d0, d1) -> (0, 0)>
#map1 = affine_map<(d0, d1) -> (0)>
module attributes {stable_mosaic.version = 14 : i64} {
  func.func @new_body(%arg0: i32, %arg1: i32, %arg2: memref<128x128xi32, #tpu.memory_space<hbm>>, %arg3: memref<128x128xi32, #tpu.memory_space<hbm>>, %arg4: memref<128x128xi32, #tpu.memory_space<hbm>>, %arg5: memref<16384x64xf32, #tpu.memory_space<hbm>>, %arg6: memref<128xf32, #tpu.memory_space<hbm>>, %arg7: memref<1015808x64xf32, #tpu.memory_space<hbm>>, %arg8: memref<1000000xf32, #tpu.memory_space<hbm>>, %arg9: memref<8xi32, #tpu.memory_space<hbm>>, %arg10: memref<1015808x64xf32, #tpu.memory_space<hbm>>, %arg11: memref<1000000xf32, #tpu.memory_space<hbm>>, %arg12: memref<4x128xi32, #tpu.memory_space<vmem>>, %arg13: memref<4x128xi32, #tpu.memory_space<vmem>>, %arg14: memref<4x128xi32, #tpu.memory_space<vmem>>, %arg15: memref<128x64xf32, #tpu.memory_space<vmem>>, %arg16: memref<128xf32, #tpu.memory_space<vmem>>, %arg17: memref<!tpu.dma_semaphore, #tpu.memory_space<semaphore_mem>>) attributes {dimension_semantics = [#tpu.dimension_semantics<core_parallel>, #tpu.dimension_semantics<subcore_parallel>], iteration_bounds = array<i64: 2, 16>, scalar_prefetch = 0 : i64, scratch_operands = 6 : i64, tpu.core_type = #tpu.core_type<sc_vector_subcore>, window_params = [{transform_indices = #map}, {transform_indices = #map}, {transform_indices = #map}, {transform_indices = #map}, {transform_indices = #map1}, {transform_indices = #map}, {transform_indices = #map1}, {transform_indices = #map1}, {transform_indices = #map}, {transform_indices = #map1}]} {
    %mul3A = arith.constant 2 : i32
    %mul3A_0 = arith.muli %arg1, %mul3A : i32
    %add3A = arith.addi %mul3A_0, %arg0 : i32
    %mul3A_1 = arith.constant 4 : i32
    %mul3A_2 = arith.muli %add3A, %mul3A_1 : i32
    "tpu.region"() ({
      %run_scoped3A = tpu.sem_alloc : memref<!tpu.dma_semaphore, #tpu.memory_space<semaphore_mem>>
      %dma_start3A_161 = arith.constant 0 : i32
      %dma_start3A_162 = tpu.memref_slice %arg2[%mul3A_2, %dma_start3A_161] : memref<128x128xi32, #tpu.memory_space<hbm>> -> memref<4x128xi32, #tpu.memory_space<hbm>>
      %dma_start3A_163 = arith.constant 0 : i32
      %dma_start3A_164 = tpu.memref_slice %arg2[%mul3A_2, %dma_start3A_163] : memref<128x128xi32, #tpu.memory_space<hbm>> -> memref<4x128xi32, #tpu.memory_space<hbm>>
      tpu.enqueue_dma source(%dma_start3A_164 : memref<4x128xi32, #tpu.memory_space<hbm>>) target(%arg12 : memref<4x128xi32, #tpu.memory_space<vmem>>) target_semaphore(%run_scoped3A : memref<!tpu.dma_semaphore, #tpu.memory_space<semaphore_mem>>)
      %dma_wait3A_165 = arith.constant 0 : i32
      %dma_wait3A_166 = tpu.memref_slice %arg2[%mul3A_2, %dma_wait3A_165] : memref<128x128xi32, #tpu.memory_space<hbm>> -> memref<4x128xi32, #tpu.memory_space<hbm>>
      %dma_wait3A_167 = arith.constant 0 : i32
      %dma_wait3A_168 = tpu.memref_slice %arg2[%mul3A_2, %dma_wait3A_167] : memref<128x128xi32, #tpu.memory_space<hbm>> -> memref<4x128xi32, #tpu.memory_space<hbm>>
      tpu.wait_dma2 semaphore(%run_scoped3A : memref<!tpu.dma_semaphore, #tpu.memory_space<semaphore_mem>>) src(%dma_wait3A_168 : memref<4x128xi32, #tpu.memory_space<hbm>>) dst(%arg12 : memref<4x128xi32, #tpu.memory_space<vmem>>)
      tpu.yield
    }) : () -> ()
    "tpu.region"() ({
      %run_scoped3A = tpu.sem_alloc : memref<!tpu.dma_semaphore, #tpu.memory_space<semaphore_mem>>
      %dma_start3A_161 = arith.constant 0 : i32
      %dma_start3A_162 = tpu.memref_slice %arg3[%mul3A_2, %dma_start3A_161] : memref<128x128xi32, #tpu.memory_space<hbm>> -> memref<4x128xi32, #tpu.memory_space<hbm>>
      %dma_start3A_163 = arith.constant 0 : i32
      %dma_start3A_164 = tpu.memref_slice %arg3[%mul3A_2, %dma_start3A_163] : memref<128x128xi32, #tpu.memory_space<hbm>> -> memref<4x128xi32, #tpu.memory_space<hbm>>
      tpu.enqueue_dma source(%dma_start3A_164 : memref<4x128xi32, #tpu.memory_space<hbm>>) target(%arg13 : memref<4x128xi32, #tpu.memory_space<vmem>>) target_semaphore(%run_scoped3A : memref<!tpu.dma_semaphore, #tpu.memory_space<semaphore_mem>>)
      %dma_wait3A_165 = arith.constant 0 : i32
      %dma_wait3A_166 = tpu.memref_slice %arg3[%mul3A_2, %dma_wait3A_165] : memref<128x128xi32, #tpu.memory_space<hbm>> -> memref<4x128xi32, #tpu.memory_space<hbm>>
      %dma_wait3A_167 = arith.constant 0 : i32
      %dma_wait3A_168 = tpu.memref_slice %arg3[%mul3A_2, %dma_wait3A_167] : memref<128x128xi32, #tpu.memory_space<hbm>> -> memref<4x128xi32, #tpu.memory_space<hbm>>
      tpu.wait_dma2 semaphore(%run_scoped3A : memref<!tpu.dma_semaphore, #tpu.memory_space<semaphore_mem>>) src(%dma_wait3A_168 : memref<4x128xi32, #tpu.memory_space<hbm>>) dst(%arg13 : memref<4x128xi32, #tpu.memory_space<vmem>>)
      tpu.yield
    }) : () -> ()
    "tpu.region"() ({
      %run_scoped3A = tpu.sem_alloc : memref<!tpu.dma_semaphore, #tpu.memory_space<semaphore_mem>>
      %dma_start3A_161 = arith.constant 0 : i32
      %dma_start3A_162 = tpu.memref_slice %arg4[%mul3A_2, %dma_start3A_161] : memref<128x128xi32, #tpu.memory_space<hbm>> -> memref<4x128xi32, #tpu.memory_space<hbm>>
      %dma_start3A_163 = arith.constant 0 : i32
      %dma_start3A_164 = tpu.memref_slice %arg4[%mul3A_2, %dma_start3A_163] : memref<128x128xi32, #tpu.memory_space<hbm>> -> memref<4x128xi32, #tpu.memory_space<hbm>>
      tpu.enqueue_dma source(%dma_start3A_164 : memref<4x128xi32, #tpu.memory_space<hbm>>) target(%arg14 : memref<4x128xi32, #tpu.memory_space<vmem>>) target_semaphore(%run_scoped3A : memref<!tpu.dma_semaphore, #tpu.memory_space<semaphore_mem>>)
      %dma_wait3A_165 = arith.constant 0 : i32
      %dma_wait3A_166 = tpu.memref_slice %arg4[%mul3A_2, %dma_wait3A_165] : memref<128x128xi32, #tpu.memory_space<hbm>> -> memref<4x128xi32, #tpu.memory_space<hbm>>
      %dma_wait3A_167 = arith.constant 0 : i32
      %dma_wait3A_168 = tpu.memref_slice %arg4[%mul3A_2, %dma_wait3A_167] : memref<128x128xi32, #tpu.memory_space<hbm>> -> memref<4x128xi32, #tpu.memory_space<hbm>>
      tpu.wait_dma2 semaphore(%run_scoped3A : memref<!tpu.dma_semaphore, #tpu.memory_space<semaphore_mem>>) src(%dma_wait3A_168 : memref<4x128xi32, #tpu.memory_space<hbm>>) dst(%arg14 : memref<4x128xi32, #tpu.memory_space<vmem>>)
      tpu.yield
    }) : () -> ()
    "tpu.region"() ({
      %run_scoped3A = tpu.sem_alloc : memref<!tpu.dma_semaphore, #tpu.memory_space<semaphore_mem>>
      tpu.enqueue_dma source(%arg6 : memref<128xf32, #tpu.memory_space<hbm>>) target(%arg16 : memref<128xf32, #tpu.memory_space<vmem>>) target_semaphore(%run_scoped3A : memref<!tpu.dma_semaphore, #tpu.memory_space<semaphore_mem>>)
      tpu.wait_dma2 semaphore(%run_scoped3A : memref<!tpu.dma_semaphore, #tpu.memory_space<semaphore_mem>>) src(%arg6 : memref<128xf32, #tpu.memory_space<hbm>>) dst(%arg16 : memref<128xf32, #tpu.memory_space<vmem>>)
      tpu.yield
    }) : () -> ()
    %dma_start3A = arith.constant 0 : i32
    %dma_start3A_3 = arith.constant 0 : i32
    %dma_start3A_4 = tpu.memref_slice %arg14[%dma_start3A, %dma_start3A_3] : memref<4x128xi32, #tpu.memory_space<vmem>> -> memref<1x128xi32, #tpu.memory_space<vmem>>
    %dma_start3A_5 = tpu.memref_squeeze %dma_start3A_4 : memref<1x128xi32, #tpu.memory_space<vmem>> -> memref<128xi32, #tpu.memory_space<vmem>>
    %dma_start3A_6 = arith.constant 0 : i32
    %dma_start3A_7 = arith.constant 0 : i32
    %dma_start3A_8 = tpu.memref_slice %arg5[%dma_start3A_6, %dma_start3A_7] : memref<16384x64xf32, #tpu.memory_space<hbm>> -> memref<16384x64xf32, #tpu.memory_space<hbm>>
    tpu.enqueue_indirect_dma source(%dma_start3A_8 : memref<16384x64xf32, #tpu.memory_space<hbm>>) target(%arg15 : memref<128x64xf32, #tpu.memory_space<vmem>>) offsets(%dma_start3A_5 : memref<128xi32, #tpu.memory_space<vmem>>) semaphore(%arg17 : memref<!tpu.dma_semaphore, #tpu.memory_space<semaphore_mem>>)
    %dma_wait3A = arith.constant 0 : i32
    %dma_wait3A_9 = arith.constant 0 : i32
    %dma_wait3A_10 = tpu.memref_slice %arg14[%dma_wait3A, %dma_wait3A_9] : memref<4x128xi32, #tpu.memory_space<vmem>> -> memref<1x128xi32, #tpu.memory_space<vmem>>
    %dma_wait3A_11 = tpu.memref_squeeze %dma_wait3A_10 : memref<1x128xi32, #tpu.memory_space<vmem>> -> memref<128xi32, #tpu.memory_space<vmem>>
    %dma_wait3A_12 = arith.constant 0 : i32
    %dma_wait3A_13 = arith.constant 0 : i32
    %dma_wait3A_14 = tpu.memref_slice %arg5[%dma_wait3A_12, %dma_wait3A_13] : memref<16384x64xf32, #tpu.memory_space<hbm>> -> memref<16384x64xf32, #tpu.memory_space<hbm>>
    tpu.wait_indirect_dma semaphore(%arg17 : memref<!tpu.dma_semaphore, #tpu.memory_space<semaphore_mem>>) src(%dma_wait3A_14 : memref<16384x64xf32, #tpu.memory_space<hbm>>) dst(%arg15 : memref<128x64xf32, #tpu.memory_space<vmem>>)
    %dma_start3A_15 = arith.constant 0 : i32
    %dma_start3A_16 = arith.constant 0 : i32
    %dma_start3A_17 = tpu.memref_slice %arg12[%dma_start3A_15, %dma_start3A_16] : memref<4x128xi32, #tpu.memory_space<vmem>> -> memref<1x128xi32, #tpu.memory_space<vmem>>
    %dma_start3A_18 = tpu.memref_squeeze %dma_start3A_17 : memref<1x128xi32, #tpu.memory_space<vmem>> -> memref<128xi32, #tpu.memory_space<vmem>>
    %dma_start3A_19 = arith.constant 0 : i32
    %dma_start3A_20 = arith.constant 0 : i32
    %dma_start3A_21 = tpu.memref_slice %arg7[%dma_start3A_19, %dma_start3A_20] : memref<1015808x64xf32, #tpu.memory_space<hbm>> -> memref<1015808x64xf32, #tpu.memory_space<hbm>>
    tpu.enqueue_indirect_dma source(%arg15 : memref<128x64xf32, #tpu.memory_space<vmem>>) target(%dma_start3A_21 : memref<1015808x64xf32, #tpu.memory_space<hbm>>) offsets(%dma_start3A_18 : memref<128xi32, #tpu.memory_space<vmem>>) semaphore(%arg17 : memref<!tpu.dma_semaphore, #tpu.memory_space<semaphore_mem>>)
    %dma_wait3A_22 = arith.constant 0 : i32
    %dma_wait3A_23 = arith.constant 0 : i32
    %dma_wait3A_24 = tpu.memref_slice %arg12[%dma_wait3A_22, %dma_wait3A_23] : memref<4x128xi32, #tpu.memory_space<vmem>> -> memref<1x128xi32, #tpu.memory_space<vmem>>
    %dma_wait3A_25 = tpu.memref_squeeze %dma_wait3A_24 : memref<1x128xi32, #tpu.memory_space<vmem>> -> memref<128xi32, #tpu.memory_space<vmem>>
    %dma_wait3A_26 = arith.constant 0 : i32
    %dma_wait3A_27 = arith.constant 0 : i32
    %dma_wait3A_28 = tpu.memref_slice %arg7[%dma_wait3A_26, %dma_wait3A_27] : memref<1015808x64xf32, #tpu.memory_space<hbm>> -> memref<1015808x64xf32, #tpu.memory_space<hbm>>
    tpu.wait_indirect_dma semaphore(%arg17 : memref<!tpu.dma_semaphore, #tpu.memory_space<semaphore_mem>>) src(%arg15 : memref<128x64xf32, #tpu.memory_space<vmem>>) dst(%dma_wait3A_28 : memref<1015808x64xf32, #tpu.memory_space<hbm>>)
    %dma_start3A_29 = arith.constant 0 : i32
    %dma_start3A_30 = arith.constant 0 : i32
    %dma_start3A_31 = tpu.memref_slice %arg13[%dma_start3A_29, %dma_start3A_30] : memref<4x128xi32, #tpu.memory_space<vmem>> -> memref<1x128xi32, #tpu.memory_space<vmem>>
    %dma_start3A_32 = tpu.memref_squeeze %dma_start3A_31 : memref<1x128xi32, #tpu.memory_space<vmem>> -> memref<128xi32, #tpu.memory_space<vmem>>
    %dma_start3A_33 = arith.constant 0 : i32
    %dma_start3A_34 = tpu.memref_slice %arg8[%dma_start3A_33] : memref<1000000xf32, #tpu.memory_space<hbm>> -> memref<1000000xf32, #tpu.memory_space<hbm>>
    tpu.enqueue_indirect_dma source(%arg16 : memref<128xf32, #tpu.memory_space<vmem>>) target(%dma_start3A_34 : memref<1000000xf32, #tpu.memory_space<hbm>>) offsets(%dma_start3A_32 : memref<128xi32, #tpu.memory_space<vmem>>) semaphore(%arg17 : memref<!tpu.dma_semaphore, #tpu.memory_space<semaphore_mem>>)
    %dma_wait3A_35 = arith.constant 0 : i32
    %dma_wait3A_36 = arith.constant 0 : i32
    %dma_wait3A_37 = tpu.memref_slice %arg13[%dma_wait3A_35, %dma_wait3A_36] : memref<4x128xi32, #tpu.memory_space<vmem>> -> memref<1x128xi32, #tpu.memory_space<vmem>>
    %dma_wait3A_38 = tpu.memref_squeeze %dma_wait3A_37 : memref<1x128xi32, #tpu.memory_space<vmem>> -> memref<128xi32, #tpu.memory_space<vmem>>
    %dma_wait3A_39 = arith.constant 0 : i32
    %dma_wait3A_40 = tpu.memref_slice %arg8[%dma_wait3A_39] : memref<1000000xf32, #tpu.memory_space<hbm>> -> memref<1000000xf32, #tpu.memory_space<hbm>>
    tpu.wait_indirect_dma semaphore(%arg17 : memref<!tpu.dma_semaphore, #tpu.memory_space<semaphore_mem>>) src(%arg16 : memref<128xf32, #tpu.memory_space<vmem>>) dst(%dma_wait3A_40 : memref<1000000xf32, #tpu.memory_space<hbm>>)
    %dma_start3A_41 = arith.constant 1 : i32
    %dma_start3A_42 = arith.constant 0 : i32
    %dma_start3A_43 = tpu.memref_slice %arg14[%dma_start3A_41, %dma_start3A_42] : memref<4x128xi32, #tpu.memory_space<vmem>> -> memref<1x128xi32, #tpu.memory_space<vmem>>
    %dma_start3A_44 = tpu.memref_squeeze %dma_start3A_43 : memref<1x128xi32, #tpu.memory_space<vmem>> -> memref<128xi32, #tpu.memory_space<vmem>>
    %dma_start3A_45 = arith.constant 0 : i32
    %dma_start3A_46 = arith.constant 0 : i32
    %dma_start3A_47 = tpu.memref_slice %arg5[%dma_start3A_45, %dma_start3A_46] : memref<16384x64xf32, #tpu.memory_space<hbm>> -> memref<16384x64xf32, #tpu.memory_space<hbm>>
    tpu.enqueue_indirect_dma source(%dma_start3A_47 : memref<16384x64xf32, #tpu.memory_space<hbm>>) target(%arg15 : memref<128x64xf32, #tpu.memory_space<vmem>>) offsets(%dma_start3A_44 : memref<128xi32, #tpu.memory_space<vmem>>) semaphore(%arg17 : memref<!tpu.dma_semaphore, #tpu.memory_space<semaphore_mem>>)
    %dma_wait3A_48 = arith.constant 1 : i32
    %dma_wait3A_49 = arith.constant 0 : i32
    %dma_wait3A_50 = tpu.memref_slice %arg14[%dma_wait3A_48, %dma_wait3A_49] : memref<4x128xi32, #tpu.memory_space<vmem>> -> memref<1x128xi32, #tpu.memory_space<vmem>>
    %dma_wait3A_51 = tpu.memref_squeeze %dma_wait3A_50 : memref<1x128xi32, #tpu.memory_space<vmem>> -> memref<128xi32, #tpu.memory_space<vmem>>
    %dma_wait3A_52 = arith.constant 0 : i32
    %dma_wait3A_53 = arith.constant 0 : i32
    %dma_wait3A_54 = tpu.memref_slice %arg5[%dma_wait3A_52, %dma_wait3A_53] : memref<16384x64xf32, #tpu.memory_space<hbm>> -> memref<16384x64xf32, #tpu.memory_space<hbm>>
    tpu.wait_indirect_dma semaphore(%arg17 : memref<!tpu.dma_semaphore, #tpu.memory_space<semaphore_mem>>) src(%dma_wait3A_54 : memref<16384x64xf32, #tpu.memory_space<hbm>>) dst(%arg15 : memref<128x64xf32, #tpu.memory_space<vmem>>)
    %dma_start3A_55 = arith.constant 1 : i32
    %dma_start3A_56 = arith.constant 0 : i32
    %dma_start3A_57 = tpu.memref_slice %arg12[%dma_start3A_55, %dma_start3A_56] : memref<4x128xi32, #tpu.memory_space<vmem>> -> memref<1x128xi32, #tpu.memory_space<vmem>>
    %dma_start3A_58 = tpu.memref_squeeze %dma_start3A_57 : memref<1x128xi32, #tpu.memory_space<vmem>> -> memref<128xi32, #tpu.memory_space<vmem>>
    %dma_start3A_59 = arith.constant 0 : i32
    %dma_start3A_60 = arith.constant 0 : i32
    %dma_start3A_61 = tpu.memref_slice %arg7[%dma_start3A_59, %dma_start3A_60] : memref<1015808x64xf32, #tpu.memory_space<hbm>> -> memref<1015808x64xf32, #tpu.memory_space<hbm>>
    tpu.enqueue_indirect_dma source(%arg15 : memref<128x64xf32, #tpu.memory_space<vmem>>) target(%dma_start3A_61 : memref<1015808x64xf32, #tpu.memory_space<hbm>>) offsets(%dma_start3A_58 : memref<128xi32, #tpu.memory_space<vmem>>) semaphore(%arg17 : memref<!tpu.dma_semaphore, #tpu.memory_space<semaphore_mem>>)
    %dma_wait3A_62 = arith.constant 1 : i32
    %dma_wait3A_63 = arith.constant 0 : i32
    %dma_wait3A_64 = tpu.memref_slice %arg12[%dma_wait3A_62, %dma_wait3A_63] : memref<4x128xi32, #tpu.memory_space<vmem>> -> memref<1x128xi32, #tpu.memory_space<vmem>>
    %dma_wait3A_65 = tpu.memref_squeeze %dma_wait3A_64 : memref<1x128xi32, #tpu.memory_space<vmem>> -> memref<128xi32, #tpu.memory_space<vmem>>
    %dma_wait3A_66 = arith.constant 0 : i32
    %dma_wait3A_67 = arith.constant 0 : i32
    %dma_wait3A_68 = tpu.memref_slice %arg7[%dma_wait3A_66, %dma_wait3A_67] : memref<1015808x64xf32, #tpu.memory_space<hbm>> -> memref<1015808x64xf32, #tpu.memory_space<hbm>>
    tpu.wait_indirect_dma semaphore(%arg17 : memref<!tpu.dma_semaphore, #tpu.memory_space<semaphore_mem>>) src(%arg15 : memref<128x64xf32, #tpu.memory_space<vmem>>) dst(%dma_wait3A_68 : memref<1015808x64xf32, #tpu.memory_space<hbm>>)
    %dma_start3A_69 = arith.constant 1 : i32
    %dma_start3A_70 = arith.constant 0 : i32
    %dma_start3A_71 = tpu.memref_slice %arg13[%dma_start3A_69, %dma_start3A_70] : memref<4x128xi32, #tpu.memory_space<vmem>> -> memref<1x128xi32, #tpu.memory_space<vmem>>
    %dma_start3A_72 = tpu.memref_squeeze %dma_start3A_71 : memref<1x128xi32, #tpu.memory_space<vmem>> -> memref<128xi32, #tpu.memory_space<vmem>>
    %dma_start3A_73 = arith.constant 0 : i32
    %dma_start3A_74 = tpu.memref_slice %arg8[%dma_start3A_73] : memref<1000000xf32, #tpu.memory_space<hbm>> -> memref<1000000xf32, #tpu.memory_space<hbm>>
    tpu.enqueue_indirect_dma source(%arg16 : memref<128xf32, #tpu.memory_space<vmem>>) target(%dma_start3A_74 : memref<1000000xf32, #tpu.memory_space<hbm>>) offsets(%dma_start3A_72 : memref<128xi32, #tpu.memory_space<vmem>>) semaphore(%arg17 : memref<!tpu.dma_semaphore, #tpu.memory_space<semaphore_mem>>)
    %dma_wait3A_75 = arith.constant 1 : i32
    %dma_wait3A_76 = arith.constant 0 : i32
    %dma_wait3A_77 = tpu.memref_slice %arg13[%dma_wait3A_75, %dma_wait3A_76] : memref<4x128xi32, #tpu.memory_space<vmem>> -> memref<1x128xi32, #tpu.memory_space<vmem>>
    %dma_wait3A_78 = tpu.memref_squeeze %dma_wait3A_77 : memref<1x128xi32, #tpu.memory_space<vmem>> -> memref<128xi32, #tpu.memory_space<vmem>>
    %dma_wait3A_79 = arith.constant 0 : i32
    %dma_wait3A_80 = tpu.memref_slice %arg8[%dma_wait3A_79] : memref<1000000xf32, #tpu.memory_space<hbm>> -> memref<1000000xf32, #tpu.memory_space<hbm>>
    tpu.wait_indirect_dma semaphore(%arg17 : memref<!tpu.dma_semaphore, #tpu.memory_space<semaphore_mem>>) src(%arg16 : memref<128xf32, #tpu.memory_space<vmem>>) dst(%dma_wait3A_80 : memref<1000000xf32, #tpu.memory_space<hbm>>)
    %dma_start3A_81 = arith.constant 2 : i32
    %dma_start3A_82 = arith.constant 0 : i32
    %dma_start3A_83 = tpu.memref_slice %arg14[%dma_start3A_81, %dma_start3A_82] : memref<4x128xi32, #tpu.memory_space<vmem>> -> memref<1x128xi32, #tpu.memory_space<vmem>>
    %dma_start3A_84 = tpu.memref_squeeze %dma_start3A_83 : memref<1x128xi32, #tpu.memory_space<vmem>> -> memref<128xi32, #tpu.memory_space<vmem>>
    %dma_start3A_85 = arith.constant 0 : i32
    %dma_start3A_86 = arith.constant 0 : i32
    %dma_start3A_87 = tpu.memref_slice %arg5[%dma_start3A_85, %dma_start3A_86] : memref<16384x64xf32, #tpu.memory_space<hbm>> -> memref<16384x64xf32, #tpu.memory_space<hbm>>
    tpu.enqueue_indirect_dma source(%dma_start3A_87 : memref<16384x64xf32, #tpu.memory_space<hbm>>) target(%arg15 : memref<128x64xf32, #tpu.memory_space<vmem>>) offsets(%dma_start3A_84 : memref<128xi32, #tpu.memory_space<vmem>>) semaphore(%arg17 : memref<!tpu.dma_semaphore, #tpu.memory_space<semaphore_mem>>)
    %dma_wait3A_88 = arith.constant 2 : i32
    %dma_wait3A_89 = arith.constant 0 : i32
    %dma_wait3A_90 = tpu.memref_slice %arg14[%dma_wait3A_88, %dma_wait3A_89] : memref<4x128xi32, #tpu.memory_space<vmem>> -> memref<1x128xi32, #tpu.memory_space<vmem>>
    %dma_wait3A_91 = tpu.memref_squeeze %dma_wait3A_90 : memref<1x128xi32, #tpu.memory_space<vmem>> -> memref<128xi32, #tpu.memory_space<vmem>>
    %dma_wait3A_92 = arith.constant 0 : i32
    %dma_wait3A_93 = arith.constant 0 : i32
    %dma_wait3A_94 = tpu.memref_slice %arg5[%dma_wait3A_92, %dma_wait3A_93] : memref<16384x64xf32, #tpu.memory_space<hbm>> -> memref<16384x64xf32, #tpu.memory_space<hbm>>
    tpu.wait_indirect_dma semaphore(%arg17 : memref<!tpu.dma_semaphore, #tpu.memory_space<semaphore_mem>>) src(%dma_wait3A_94 : memref<16384x64xf32, #tpu.memory_space<hbm>>) dst(%arg15 : memref<128x64xf32, #tpu.memory_space<vmem>>)
    %dma_start3A_95 = arith.constant 2 : i32
    %dma_start3A_96 = arith.constant 0 : i32
    %dma_start3A_97 = tpu.memref_slice %arg12[%dma_start3A_95, %dma_start3A_96] : memref<4x128xi32, #tpu.memory_space<vmem>> -> memref<1x128xi32, #tpu.memory_space<vmem>>
    %dma_start3A_98 = tpu.memref_squeeze %dma_start3A_97 : memref<1x128xi32, #tpu.memory_space<vmem>> -> memref<128xi32, #tpu.memory_space<vmem>>
    %dma_start3A_99 = arith.constant 0 : i32
    %dma_start3A_100 = arith.constant 0 : i32
    %dma_start3A_101 = tpu.memref_slice %arg7[%dma_start3A_99, %dma_start3A_100] : memref<1015808x64xf32, #tpu.memory_space<hbm>> -> memref<1015808x64xf32, #tpu.memory_space<hbm>>
    tpu.enqueue_indirect_dma source(%arg15 : memref<128x64xf32, #tpu.memory_space<vmem>>) target(%dma_start3A_101 : memref<1015808x64xf32, #tpu.memory_space<hbm>>) offsets(%dma_start3A_98 : memref<128xi32, #tpu.memory_space<vmem>>) semaphore(%arg17 : memref<!tpu.dma_semaphore, #tpu.memory_space<semaphore_mem>>)
    %dma_wait3A_102 = arith.constant 2 : i32
    %dma_wait3A_103 = arith.constant 0 : i32
    %dma_wait3A_104 = tpu.memref_slice %arg12[%dma_wait3A_102, %dma_wait3A_103] : memref<4x128xi32, #tpu.memory_space<vmem>> -> memref<1x128xi32, #tpu.memory_space<vmem>>
    %dma_wait3A_105 = tpu.memref_squeeze %dma_wait3A_104 : memref<1x128xi32, #tpu.memory_space<vmem>> -> memref<128xi32, #tpu.memory_space<vmem>>
    %dma_wait3A_106 = arith.constant 0 : i32
    %dma_wait3A_107 = arith.constant 0 : i32
    %dma_wait3A_108 = tpu.memref_slice %arg7[%dma_wait3A_106, %dma_wait3A_107] : memref<1015808x64xf32, #tpu.memory_space<hbm>> -> memref<1015808x64xf32, #tpu.memory_space<hbm>>
    tpu.wait_indirect_dma semaphore(%arg17 : memref<!tpu.dma_semaphore, #tpu.memory_space<semaphore_mem>>) src(%arg15 : memref<128x64xf32, #tpu.memory_space<vmem>>) dst(%dma_wait3A_108 : memref<1015808x64xf32, #tpu.memory_space<hbm>>)
    %dma_start3A_109 = arith.constant 2 : i32
    %dma_start3A_110 = arith.constant 0 : i32
    %dma_start3A_111 = tpu.memref_slice %arg13[%dma_start3A_109, %dma_start3A_110] : memref<4x128xi32, #tpu.memory_space<vmem>> -> memref<1x128xi32, #tpu.memory_space<vmem>>
    %dma_start3A_112 = tpu.memref_squeeze %dma_start3A_111 : memref<1x128xi32, #tpu.memory_space<vmem>> -> memref<128xi32, #tpu.memory_space<vmem>>
    %dma_start3A_113 = arith.constant 0 : i32
    %dma_start3A_114 = tpu.memref_slice %arg8[%dma_start3A_113] : memref<1000000xf32, #tpu.memory_space<hbm>> -> memref<1000000xf32, #tpu.memory_space<hbm>>
    tpu.enqueue_indirect_dma source(%arg16 : memref<128xf32, #tpu.memory_space<vmem>>) target(%dma_start3A_114 : memref<1000000xf32, #tpu.memory_space<hbm>>) offsets(%dma_start3A_112 : memref<128xi32, #tpu.memory_space<vmem>>) semaphore(%arg17 : memref<!tpu.dma_semaphore, #tpu.memory_space<semaphore_mem>>)
    %dma_wait3A_115 = arith.constant 2 : i32
    %dma_wait3A_116 = arith.constant 0 : i32
    %dma_wait3A_117 = tpu.memref_slice %arg13[%dma_wait3A_115, %dma_wait3A_116] : memref<4x128xi32, #tpu.memory_space<vmem>> -> memref<1x128xi32, #tpu.memory_space<vmem>>
    %dma_wait3A_118 = tpu.memref_squeeze %dma_wait3A_117 : memref<1x128xi32, #tpu.memory_space<vmem>> -> memref<128xi32, #tpu.memory_space<vmem>>
    %dma_wait3A_119 = arith.constant 0 : i32
    %dma_wait3A_120 = tpu.memref_slice %arg8[%dma_wait3A_119] : memref<1000000xf32, #tpu.memory_space<hbm>> -> memref<1000000xf32, #tpu.memory_space<hbm>>
    tpu.wait_indirect_dma semaphore(%arg17 : memref<!tpu.dma_semaphore, #tpu.memory_space<semaphore_mem>>) src(%arg16 : memref<128xf32, #tpu.memory_space<vmem>>) dst(%dma_wait3A_120 : memref<1000000xf32, #tpu.memory_space<hbm>>)
    %dma_start3A_121 = arith.constant 3 : i32
    %dma_start3A_122 = arith.constant 0 : i32
    %dma_start3A_123 = tpu.memref_slice %arg14[%dma_start3A_121, %dma_start3A_122] : memref<4x128xi32, #tpu.memory_space<vmem>> -> memref<1x128xi32, #tpu.memory_space<vmem>>
    %dma_start3A_124 = tpu.memref_squeeze %dma_start3A_123 : memref<1x128xi32, #tpu.memory_space<vmem>> -> memref<128xi32, #tpu.memory_space<vmem>>
    %dma_start3A_125 = arith.constant 0 : i32
    %dma_start3A_126 = arith.constant 0 : i32
    %dma_start3A_127 = tpu.memref_slice %arg5[%dma_start3A_125, %dma_start3A_126] : memref<16384x64xf32, #tpu.memory_space<hbm>> -> memref<16384x64xf32, #tpu.memory_space<hbm>>
    tpu.enqueue_indirect_dma source(%dma_start3A_127 : memref<16384x64xf32, #tpu.memory_space<hbm>>) target(%arg15 : memref<128x64xf32, #tpu.memory_space<vmem>>) offsets(%dma_start3A_124 : memref<128xi32, #tpu.memory_space<vmem>>) semaphore(%arg17 : memref<!tpu.dma_semaphore, #tpu.memory_space<semaphore_mem>>)
    %dma_wait3A_128 = arith.constant 3 : i32
    %dma_wait3A_129 = arith.constant 0 : i32
    %dma_wait3A_130 = tpu.memref_slice %arg14[%dma_wait3A_128, %dma_wait3A_129] : memref<4x128xi32, #tpu.memory_space<vmem>> -> memref<1x128xi32, #tpu.memory_space<vmem>>
    %dma_wait3A_131 = tpu.memref_squeeze %dma_wait3A_130 : memref<1x128xi32, #tpu.memory_space<vmem>> -> memref<128xi32, #tpu.memory_space<vmem>>
    %dma_wait3A_132 = arith.constant 0 : i32
    %dma_wait3A_133 = arith.constant 0 : i32
    %dma_wait3A_134 = tpu.memref_slice %arg5[%dma_wait3A_132, %dma_wait3A_133] : memref<16384x64xf32, #tpu.memory_space<hbm>> -> memref<16384x64xf32, #tpu.memory_space<hbm>>
    tpu.wait_indirect_dma semaphore(%arg17 : memref<!tpu.dma_semaphore, #tpu.memory_space<semaphore_mem>>) src(%dma_wait3A_134 : memref<16384x64xf32, #tpu.memory_space<hbm>>) dst(%arg15 : memref<128x64xf32, #tpu.memory_space<vmem>>)
    %dma_start3A_135 = arith.constant 3 : i32
    %dma_start3A_136 = arith.constant 0 : i32
    %dma_start3A_137 = tpu.memref_slice %arg12[%dma_start3A_135, %dma_start3A_136] : memref<4x128xi32, #tpu.memory_space<vmem>> -> memref<1x128xi32, #tpu.memory_space<vmem>>
    %dma_start3A_138 = tpu.memref_squeeze %dma_start3A_137 : memref<1x128xi32, #tpu.memory_space<vmem>> -> memref<128xi32, #tpu.memory_space<vmem>>
    %dma_start3A_139 = arith.constant 0 : i32
    %dma_start3A_140 = arith.constant 0 : i32
    %dma_start3A_141 = tpu.memref_slice %arg7[%dma_start3A_139, %dma_start3A_140] : memref<1015808x64xf32, #tpu.memory_space<hbm>> -> memref<1015808x64xf32, #tpu.memory_space<hbm>>
    tpu.enqueue_indirect_dma source(%arg15 : memref<128x64xf32, #tpu.memory_space<vmem>>) target(%dma_start3A_141 : memref<1015808x64xf32, #tpu.memory_space<hbm>>) offsets(%dma_start3A_138 : memref<128xi32, #tpu.memory_space<vmem>>) semaphore(%arg17 : memref<!tpu.dma_semaphore, #tpu.memory_space<semaphore_mem>>)
    %dma_wait3A_142 = arith.constant 3 : i32
    %dma_wait3A_143 = arith.constant 0 : i32
    %dma_wait3A_144 = tpu.memref_slice %arg12[%dma_wait3A_142, %dma_wait3A_143] : memref<4x128xi32, #tpu.memory_space<vmem>> -> memref<1x128xi32, #tpu.memory_space<vmem>>
    %dma_wait3A_145 = tpu.memref_squeeze %dma_wait3A_144 : memref<1x128xi32, #tpu.memory_space<vmem>> -> memref<128xi32, #tpu.memory_space<vmem>>
    %dma_wait3A_146 = arith.constant 0 : i32
    %dma_wait3A_147 = arith.constant 0 : i32
    %dma_wait3A_148 = tpu.memref_slice %arg7[%dma_wait3A_146, %dma_wait3A_147] : memref<1015808x64xf32, #tpu.memory_space<hbm>> -> memref<1015808x64xf32, #tpu.memory_space<hbm>>
    tpu.wait_indirect_dma semaphore(%arg17 : memref<!tpu.dma_semaphore, #tpu.memory_space<semaphore_mem>>) src(%arg15 : memref<128x64xf32, #tpu.memory_space<vmem>>) dst(%dma_wait3A_148 : memref<1015808x64xf32, #tpu.memory_space<hbm>>)
    %dma_start3A_149 = arith.constant 3 : i32
    %dma_start3A_150 = arith.constant 0 : i32
    %dma_start3A_151 = tpu.memref_slice %arg13[%dma_start3A_149, %dma_start3A_150] : memref<4x128xi32, #tpu.memory_space<vmem>> -> memref<1x128xi32, #tpu.memory_space<vmem>>
    %dma_start3A_152 = tpu.memref_squeeze %dma_start3A_151 : memref<1x128xi32, #tpu.memory_space<vmem>> -> memref<128xi32, #tpu.memory_space<vmem>>
    %dma_start3A_153 = arith.constant 0 : i32
    %dma_start3A_154 = tpu.memref_slice %arg8[%dma_start3A_153] : memref<1000000xf32, #tpu.memory_space<hbm>> -> memref<1000000xf32, #tpu.memory_space<hbm>>
    tpu.enqueue_indirect_dma source(%arg16 : memref<128xf32, #tpu.memory_space<vmem>>) target(%dma_start3A_154 : memref<1000000xf32, #tpu.memory_space<hbm>>) offsets(%dma_start3A_152 : memref<128xi32, #tpu.memory_space<vmem>>) semaphore(%arg17 : memref<!tpu.dma_semaphore, #tpu.memory_space<semaphore_mem>>)
    %dma_wait3A_155 = arith.constant 3 : i32
    %dma_wait3A_156 = arith.constant 0 : i32
    %dma_wait3A_157 = tpu.memref_slice %arg13[%dma_wait3A_155, %dma_wait3A_156] : memref<4x128xi32, #tpu.memory_space<vmem>> -> memref<1x128xi32, #tpu.memory_space<vmem>>
    %dma_wait3A_158 = tpu.memref_squeeze %dma_wait3A_157 : memref<1x128xi32, #tpu.memory_space<vmem>> -> memref<128xi32, #tpu.memory_space<vmem>>
    %dma_wait3A_159 = arith.constant 0 : i32
    %dma_wait3A_160 = tpu.memref_slice %arg8[%dma_wait3A_159] : memref<1000000xf32, #tpu.memory_space<hbm>> -> memref<1000000xf32, #tpu.memory_space<hbm>>
    tpu.wait_indirect_dma semaphore(%arg17 : memref<!tpu.dma_semaphore, #tpu.memory_space<semaphore_mem>>) src(%arg16 : memref<128xf32, #tpu.memory_space<vmem>>) dst(%dma_wait3A_160 : memref<1000000xf32, #tpu.memory_space<hbm>>)
    return
  }
}

module attributes {stable_mosaic.version = 14 : i64} {
  func.func @_detile_body(%arg0: i32, %arg1: memref<64x16384xf32, #tpu.memory_space<vmem>>, %arg2: memref<128x128xf32, #tpu.memory_space<vmem>>, %arg3: memref<8192x128xf32, #tpu.memory_space<vmem>>) attributes {dimension_semantics = [#tpu.dimension_semantics<arbitrary>], iteration_bounds = array<i64: 62>, scalar_prefetch = 0 : i64, scratch_operands = 0 : i64, tpu.core_type = #tpu.core_type<tc>, window_params = [{transform_indices = @transform_0, window_bounds = array<i64: 64, 16384>}, {pipeline_mode = #tpu.pipeline_mode<synchronous>, transform_indices = @transform_1, window_bounds = array<i64: 128, 128>}, {transform_indices = @transform_2, window_bounds = array<i64: 8192, 128>}]} {
    %get3A = arith.constant 0 : index
    %get3A_0 = arith.constant 0 : index
    %get3A_1 = vector.load %arg1[%get3A, %get3A_0] : memref<64x16384xf32, #tpu.memory_space<vmem>>, vector<64x16384xf32>
    %slice3A = vector.extract_strided_slice %get3A_1 {offsets = [0, 0], sizes = [64, 8192], strides = [1, 1]} : vector<64x16384xf32> to vector<64x8192xf32>
    %slice3A_2 = vector.extract_strided_slice %get3A_1 {offsets = [0, 8192], sizes = [64, 8192], strides = [1, 1]} : vector<64x16384xf32> to vector<64x8192xf32>
    %concatenate3A = tpu.concatenate %slice3A, %slice3A_2 in 0 : vector<64x8192xf32>, vector<64x8192xf32> -> vector<128x8192xf32>
    %get3A_3 = arith.constant 0 : index
    %get3A_4 = arith.constant 0 : index
    %get3A_5 = vector.load %arg2[%get3A_3, %get3A_4] : memref<128x128xf32, #tpu.memory_space<vmem>>, vector<128x128xf32>
    %dot_general3A = arith.constant dense<0.000000e+00> : vector<8192x128xf32>
    %dot_general3A_6 = tpu.matmul %concatenate3A, %get3A_5, %dot_general3A {dimension_numbers = #tpu.dot_dimension_numbers<[0], [0], [1], [1], [0, 1, 1, 1], [], []>, transpose_lhs_hint = false} : vector<128x8192xf32>, vector<128x128xf32>, vector<8192x128xf32> -> vector<8192x128xf32>
    %swap3A = arith.constant 0 : index
    %swap3A_7 = arith.constant 0 : index
    %swap3A_8 = vector.load %arg3[%swap3A, %swap3A_7] : memref<8192x128xf32, #tpu.memory_space<vmem>>, vector<8192x128xf32>
    tpu.vector_store %arg3[%swap3A, %swap3A_7], %dot_general3A_6 {strides = array<i32>} : memref<8192x128xf32, #tpu.memory_space<vmem>>, vector<8192x128xf32>,
    return
  }
  func.func @transform_0(%arg0: i32) -> (i32, i32) {
    %c0_i32 = arith.constant 0 : i32
    %c0_i32_0 = arith.constant 0 : i32
    return %c0_i32, %arg0 : i32, i32
  }
  func.func @transform_1(%arg0: i32) -> (i32, i32) {
    %c0_i32 = arith.constant 0 : i32
    %c0_i32_0 = arith.constant 0 : i32
    %c0_i32_1 = arith.constant 0 : i32
    return %c0_i32, %c0_i32_0 : i32, i32
  }
  func.func @transform_2(%arg0: i32) -> (i32, i32) {
    %c0_i32 = arith.constant 0 : i32
    %c0_i32_0 = arith.constant 0 : i32
    return %arg0, %c0_i32 : i32, i32
  }
}

module attributes {stable_mosaic.version = 14 : i64} {
  func.func @_gru_body(%arg0: i32, %arg1: memref<2048x128xf32, #tpu.memory_space<vmem>>, %arg2: memref<2048x64xf32, #tpu.memory_space<vmem>>, %arg3: memref<128x64xf32, #tpu.memory_space<vmem>>, %arg4: memref<128x64xf32, #tpu.memory_space<vmem>>, %arg5: memref<128x64xf32, #tpu.memory_space<vmem>>, %arg6: memref<64x64xf32, #tpu.memory_space<vmem>>, %arg7: memref<64x64xf32, #tpu.memory_space<vmem>>, %arg8: memref<64x64xf32, #tpu.memory_space<vmem>>, %arg9: memref<1x128xf32, #tpu.memory_space<vmem>>, %arg10: memref<1x64xf32, #tpu.memory_space<vmem>>, %arg11: memref<1x64xf32, #tpu.memory_space<vmem>>, %arg12: memref<2048x64xf32, #tpu.memory_space<vmem>>) attributes {dimension_semantics = [#tpu.dimension_semantics<arbitrary>], iteration_bounds = array<i64: 8>, scalar_prefetch = 0 : i64, scratch_operands = 0 : i64, tpu.core_type = #tpu.core_type<tc>, window_params = [{transform_indices = @transform_0, window_bounds = array<i64: 2048, 128>}, {transform_indices = @transform_1, window_bounds = array<i64: 2048, 64>}, {pipeline_mode = #tpu.pipeline_mode<synchronous>, transform_indices = @transform_2, window_bounds = array<i64: 128, 64>}, {pipeline_mode = #tpu.pipeline_mode<synchronous>, transform_indices = @transform_3, window_bounds = array<i64: 128, 64>}, {pipeline_mode = #tpu.pipeline_mode<synchronous>, transform_indices = @transform_4, window_bounds = array<i64: 128, 64>}, {pipeline_mode = #tpu.pipeline_mode<synchronous>, transform_indices = @transform_5, window_bounds = array<i64: 64, 64>}, {pipeline_mode = #tpu.pipeline_mode<synchronous>, transform_indices = @transform_6, window_bounds = array<i64: 64, 64>}, {pipeline_mode = #tpu.pipeline_mode<synchronous>, transform_indices = @transform_7, window_bounds = array<i64: 64, 64>}, {pipeline_mode = #tpu.pipeline_mode<synchronous>, transform_indices = @transform_8, window_bounds = array<i64: 1, 128>}, {pipeline_mode = #tpu.pipeline_mode<synchronous>, transform_indices = @transform_9, window_bounds = array<i64: 1, 64>}, {pipeline_mode = #tpu.pipeline_mode<synchronous>, transform_indices = @transform_10, window_bounds = array<i64: 1, 64>}, {transform_indices = @transform_11, window_bounds = array<i64: 2048, 64>}]} {
    %get3A = arith.constant 0 : index
    %get3A_0 = arith.constant 0 : index
    %get3A_1 = vector.load %arg1[%get3A, %get3A_0] : memref<2048x128xf32, #tpu.memory_space<vmem>>, vector<2048x128xf32>
    %get3A_2 = arith.constant 0 : index
    %get3A_3 = arith.constant 0 : index
    %get3A_4 = vector.load %arg2[%get3A_2, %get3A_3] : memref<2048x64xf32, #tpu.memory_space<vmem>>, vector<2048x64xf32>
    %get3A_5 = arith.constant 0 : index
    %get3A_6 = arith.constant 0 : index
    %get3A_7 = vector.load %arg3[%get3A_5, %get3A_6] : memref<128x64xf32, #tpu.memory_space<vmem>>, vector<128x64xf32>
    %dot_general3A = arith.constant dense<0.000000e+00> : vector<2048x64xf32>
    %dot_general3A_8 = tpu.matmul %get3A_1, %get3A_7, %dot_general3A {dimension_numbers = #tpu.dot_dimension_numbers<[1], [0], [0], [1], [0, 0, 1, 1], [], []>, transpose_lhs_hint = false} : vector<2048x128xf32>, vector<128x64xf32>, vector<2048x64xf32> -> vector<2048x64xf32>
    %get3A_9 = arith.constant 0 : index
    %get3A_10 = arith.constant 0 : index
    %get3A_11 = vector.load %arg4[%get3A_9, %get3A_10] : memref<128x64xf32, #tpu.memory_space<vmem>>, vector<128x64xf32>
    %dot_general3A_12 = arith.constant dense<0.000000e+00> : vector<2048x64xf32>
    %dot_general3A_13 = tpu.matmul %get3A_1, %get3A_11, %dot_general3A_12 {dimension_numbers = #tpu.dot_dimension_numbers<[1], [0], [0], [1], [0, 0, 1, 1], [], []>, transpose_lhs_hint = false} : vector<2048x128xf32>, vector<128x64xf32>, vector<2048x64xf32> -> vector<2048x64xf32>
    %get3A_14 = arith.constant 0 : index
    %get3A_15 = arith.constant 0 : index
    %get3A_16 = vector.load %arg5[%get3A_14, %get3A_15] : memref<128x64xf32, #tpu.memory_space<vmem>>, vector<128x64xf32>
    %dot_general3A_17 = arith.constant dense<0.000000e+00> : vector<2048x64xf32>
    %dot_general3A_18 = tpu.matmul %get3A_1, %get3A_16, %dot_general3A_17 {dimension_numbers = #tpu.dot_dimension_numbers<[1], [0], [0], [1], [0, 0, 1, 1], [], []>, transpose_lhs_hint = false} : vector<2048x128xf32>, vector<128x64xf32>, vector<2048x64xf32> -> vector<2048x64xf32>
    %get3A_19 = arith.constant 0 : index
    %get3A_20 = arith.constant 0 : index
    %get3A_21 = vector.load %arg6[%get3A_19, %get3A_20] : memref<64x64xf32, #tpu.memory_space<vmem>>, vector<64x64xf32>
    %dot_general3A_22 = arith.constant dense<0.000000e+00> : vector<2048x64xf32>
    %dot_general3A_23 = tpu.matmul %get3A_4, %get3A_21, %dot_general3A_22 {dimension_numbers = #tpu.dot_dimension_numbers<[1], [0], [0], [1], [0, 0, 1, 1], [], []>, transpose_lhs_hint = false} : vector<2048x64xf32>, vector<64x64xf32>, vector<2048x64xf32> -> vector<2048x64xf32>
    %get3A_24 = arith.constant 0 : index
    %get3A_25 = arith.constant 0 : index
    %get3A_26 = vector.load %arg7[%get3A_24, %get3A_25] : memref<64x64xf32, #tpu.memory_space<vmem>>, vector<64x64xf32>
    %dot_general3A_27 = arith.constant dense<0.000000e+00> : vector<2048x64xf32>
    %dot_general3A_28 = tpu.matmul %get3A_4, %get3A_26, %dot_general3A_27 {dimension_numbers = #tpu.dot_dimension_numbers<[1], [0], [0], [1], [0, 0, 1, 1], [], []>, transpose_lhs_hint = false} : vector<2048x64xf32>, vector<64x64xf32>, vector<2048x64xf32> -> vector<2048x64xf32>
    %get3A_29 = arith.constant 0 : index
    %get3A_30 = arith.constant 0 : index
    %get3A_31 = vector.load %arg8[%get3A_29, %get3A_30] : memref<64x64xf32, #tpu.memory_space<vmem>>, vector<64x64xf32>
    %dot_general3A_32 = arith.constant dense<0.000000e+00> : vector<2048x64xf32>
    %dot_general3A_33 = tpu.matmul %get3A_4, %get3A_31, %dot_general3A_32 {dimension_numbers = #tpu.dot_dimension_numbers<[1], [0], [0], [1], [0, 0, 1, 1], [], []>, transpose_lhs_hint = false} : vector<2048x64xf32>, vector<64x64xf32>, vector<2048x64xf32> -> vector<2048x64xf32>
    %add3A = arith.addf %dot_general3A_8, %dot_general3A_23 : vector<2048x64xf32>
    %get3A_34 = arith.constant 0 : index
    %get3A_35 = arith.constant 0 : index
    %get3A_36 = vector.load %arg9[%get3A_34, %get3A_35] : memref<1x128xf32, #tpu.memory_space<vmem>>, vector<1x64xf32>
    %add3A_37 = vector.broadcast %get3A_36 : vector<1x64xf32> to vector<2048x64xf32>
    %add3A_38 = arith.addf %add3A, %add3A_37 : vector<2048x64xf32>
    %logistic3A = arith.negf %add3A_38 : vector<2048x64xf32>
    %logistic3A_39 = math.exp %logistic3A : vector<2048x64xf32>
    %logistic3A_40 = arith.constant 1.000000e+00 : f32
    %logistic3A_41 = vector.broadcast %logistic3A_40 : f32 to vector<2048x64xf32>
    %logistic3A_42 = arith.addf %logistic3A_41, %logistic3A_39 : vector<2048x64xf32>
    %logistic3A_43 = arith.divf %logistic3A_41, %logistic3A_42 : vector<2048x64xf32>
    %add3A_44 = arith.addf %dot_general3A_13, %dot_general3A_28 : vector<2048x64xf32>
    %get3A_45 = arith.constant 0 : index
    %get3A_46 = arith.constant 64 : index
    %get3A_47 = vector.load %arg9[%get3A_45, %get3A_46] : memref<1x128xf32, #tpu.memory_space<vmem>>, vector<1x64xf32>
    %add3A_48 = vector.broadcast %get3A_47 : vector<1x64xf32> to vector<2048x64xf32>
    %add3A_49 = arith.addf %add3A_44, %add3A_48 : vector<2048x64xf32>
    %logistic3A_50 = arith.negf %add3A_49 : vector<2048x64xf32>
    %logistic3A_51 = math.exp %logistic3A_50 : vector<2048x64xf32>
    %logistic3A_52 = arith.constant 1.000000e+00 : f32
    %logistic3A_53 = vector.broadcast %logistic3A_52 : f32 to vector<2048x64xf32>
    %logistic3A_54 = arith.addf %logistic3A_53, %logistic3A_51 : vector<2048x64xf32>
    %logistic3A_55 = arith.divf %logistic3A_53, %logistic3A_54 : vector<2048x64xf32>
    %get3A_56 = arith.constant 0 : index
    %get3A_57 = arith.constant 0 : index
    %get3A_58 = vector.load %arg10[%get3A_56, %get3A_57] : memref<1x64xf32, #tpu.memory_space<vmem>>, vector<1x64xf32>
    %add3A_59 = vector.broadcast %get3A_58 : vector<1x64xf32> to vector<2048x64xf32>
    %add3A_60 = arith.addf %dot_general3A_18, %add3A_59 : vector<2048x64xf32>
    %get3A_61 = arith.constant 0 : index
    %get3A_62 = arith.constant 0 : index
    %get3A_63 = vector.load %arg11[%get3A_61, %get3A_62] : memref<1x64xf32, #tpu.memory_space<vmem>>, vector<1x64xf32>
    %add3A_64 = vector.broadcast %get3A_63 : vector<1x64xf32> to vector<2048x64xf32>
    %add3A_65 = arith.addf %dot_general3A_33, %add3A_64 : vector<2048x64xf32>
    %mul3A = arith.mulf %logistic3A_43, %add3A_65 : vector<2048x64xf32>
    %add3A_66 = arith.addf %add3A_60, %mul3A : vector<2048x64xf32>
    %tanh3A = math.tanh %add3A_66 : vector<2048x64xf32>
    %sub3A = arith.constant 1.000000e+00 : f32
    %sub3A_67 = vector.broadcast %sub3A : f32 to vector<2048x64xf32>
    %sub3A_68 = arith.subf %sub3A_67, %logistic3A_55 : vector<2048x64xf32>
    %mul3A_69 = arith.mulf %sub3A_68, %tanh3A : vector<2048x64xf32>
    %mul3A_70 = arith.mulf %logistic3A_55, %get3A_4 : vector<2048x64xf32>
    %add3A_71 = arith.addf %mul3A_69, %mul3A_70 : vector<2048x64xf32>
    %swap3A = arith.constant 0 : index
    %swap3A_72 = arith.constant 0 : index
    %swap3A_73 = vector.load %arg12[%swap3A, %swap3A_72] : memref<2048x64xf32, #tpu.memory_space<vmem>>, vector<2048x64xf32>
    tpu.vector_store %arg12[%swap3A, %swap3A_72], %add3A_71 {strides = array<i32>} : memref<2048x64xf32, #tpu.memory_space<vmem>>, vector<2048x64xf32>,
    return
  }
  func.func @transform_0(%arg0: i32) -> (i32, i32) {
    %c0_i32 = arith.constant 0 : i32
    %c0_i32_0 = arith.constant 0 : i32
    return %arg0, %c0_i32 : i32, i32
  }
  func.func @transform_1(%arg0: i32) -> (i32, i32) {
    %c0_i32 = arith.constant 0 : i32
    %c0_i32_0 = arith.constant 0 : i32
    return %arg0, %c0_i32 : i32, i32
  }
  func.func @transform_2(%arg0: i32) -> (i32, i32) {
    %c0_i32 = arith.constant 0 : i32
    %c0_i32_0 = arith.constant 0 : i32
    %c0_i32_1 = arith.constant 0 : i32
    return %c0_i32, %c0_i32_0 : i32, i32
  }
  func.func @transform_3(%arg0: i32) -> (i32, i32) {
    %c0_i32 = arith.constant 0 : i32
    %c0_i32_0 = arith.constant 0 : i32
    %c0_i32_1 = arith.constant 0 : i32
    return %c0_i32, %c0_i32_0 : i32, i32
  }
  func.func @transform_4(%arg0: i32) -> (i32, i32) {
    %c0_i32 = arith.constant 0 : i32
    %c0_i32_0 = arith.constant 0 : i32
    %c0_i32_1 = arith.constant 0 : i32
    return %c0_i32, %c0_i32_0 : i32, i32
  }
  func.func @transform_5(%arg0: i32) -> (i32, i32) {
    %c0_i32 = arith.constant 0 : i32
    %c0_i32_0 = arith.constant 0 : i32
    %c0_i32_1 = arith.constant 0 : i32
    return %c0_i32, %c0_i32_0 : i32, i32
  }
  func.func @transform_6(%arg0: i32) -> (i32, i32) {
    %c0_i32 = arith.constant 0 : i32
    %c0_i32_0 = arith.constant 0 : i32
    %c0_i32_1 = arith.constant 0 : i32
    return %c0_i32, %c0_i32_0 : i32, i32
  }
  func.func @transform_7(%arg0: i32) -> (i32, i32) {
    %c0_i32 = arith.constant 0 : i32
    %c0_i32_0 = arith.constant 0 : i32
    %c0_i32_1 = arith.constant 0 : i32
    return %c0_i32, %c0_i32_0 : i32, i32
  }
  func.func @transform_8(%arg0: i32) -> (i32, i32) {
    %c0_i32 = arith.constant 0 : i32
    %c0_i32_0 = arith.constant 0 : i32
    %c0_i32_1 = arith.constant 0 : i32
    return %c0_i32, %c0_i32_0 : i32, i32
  }
  func.func @transform_9(%arg0: i32) -> (i32, i32) {
    %c0_i32 = arith.constant 0 : i32
    %c0_i32_0 = arith.constant 0 : i32
    %c0_i32_1 = arith.constant 0 : i32
    return %c0_i32, %c0_i32_0 : i32, i32
  }
  func.func @transform_10(%arg0: i32) -> (i32, i32) {
    %c0_i32 = arith.constant 0 : i32
    %c0_i32_0 = arith.constant 0 : i32
    %c0_i32_1 = arith.constant 0 : i32
    return %c0_i32, %c0_i32_0 : i32, i32
  }
  func.func @transform_11(%arg0: i32) -> (i32, i32) {
    %c0_i32 = arith.constant 0 : i32
    %c0_i32_0 = arith.constant 0 : i32
    return %arg0, %c0_i32 : i32, i32
  }
}

module attributes {stable_mosaic.version = 14 : i64} {
  func.func @_retile_body(%arg0: i32, %arg1: memref<8192x128xf32, #tpu.memory_space<vmem>>, %arg2: memref<128x128xf32, #tpu.memory_space<vmem>>, %arg3: memref<64x16384xf32, #tpu.memory_space<vmem>>) attributes {dimension_semantics = [#tpu.dimension_semantics<arbitrary>], iteration_bounds = array<i64: 62>, scalar_prefetch = 0 : i64, scratch_operands = 0 : i64, tpu.core_type = #tpu.core_type<tc>, window_params = [{transform_indices = @transform_0, window_bounds = array<i64: 8192, 128>}, {pipeline_mode = #tpu.pipeline_mode<synchronous>, transform_indices = @transform_1, window_bounds = array<i64: 128, 128>}, {transform_indices = @transform_2, window_bounds = array<i64: 64, 16384>}]} {
    %get3A = arith.constant 0 : index
    %get3A_0 = arith.constant 0 : index
    %get3A_1 = vector.load %arg2[%get3A, %get3A_0] : memref<128x128xf32, #tpu.memory_space<vmem>>, vector<128x128xf32>
    %get3A_2 = arith.constant 0 : index
    %get3A_3 = arith.constant 0 : index
    %get3A_4 = vector.load %arg1[%get3A_2, %get3A_3] : memref<8192x128xf32, #tpu.memory_space<vmem>>, vector<8192x128xf32>
    %dot_general3A = arith.constant dense<0.000000e+00> : vector<128x8192xf32>
    %dot_general3A_5 = tpu.matmul %get3A_1, %get3A_4, %dot_general3A {dimension_numbers = #tpu.dot_dimension_numbers<[1], [1], [0], [0], [0, 0, 1, 0], [], []>, transpose_lhs_hint = false} : vector<128x128xf32>, vector<8192x128xf32>, vector<128x8192xf32> -> vector<128x8192xf32>
    %slice3A = vector.extract_strided_slice %dot_general3A_5 {offsets = [0, 0], sizes = [64, 8192], strides = [1, 1]} : vector<128x8192xf32> to vector<64x8192xf32>
    %slice3A_6 = vector.extract_strided_slice %dot_general3A_5 {offsets = [64, 0], sizes = [64, 8192], strides = [1, 1]} : vector<128x8192xf32> to vector<64x8192xf32>
    %concatenate3A = tpu.concatenate %slice3A, %slice3A_6 in 1 : vector<64x8192xf32>, vector<64x8192xf32> -> vector<64x16384xf32>
    %swap3A = arith.constant 0 : index
    %swap3A_7 = arith.constant 0 : index
    %swap3A_8 = vector.load %arg3[%swap3A, %swap3A_7] : memref<64x16384xf32, #tpu.memory_space<vmem>>, vector<64x16384xf32>
    tpu.vector_store %arg3[%swap3A, %swap3A_7], %concatenate3A {strides = array<i32>} : memref<64x16384xf32, #tpu.memory_space<vmem>>, vector<64x16384xf32>,
    return
  }
  func.func @transform_0(%arg0: i32) -> (i32, i32) {
    %c0_i32 = arith.constant 0 : i32
    %c0_i32_0 = arith.constant 0 : i32
    return %arg0, %c0_i32 : i32, i32
  }
  func.func @transform_1(%arg0: i32) -> (i32, i32) {
    %c0_i32 = arith.constant 0 : i32
    %c0_i32_0 = arith.constant 0 : i32
    %c0_i32_1 = arith.constant 0 : i32
    return %c0_i32, %c0_i32_0 : i32, i32
  }
  func.func @transform_2(%arg0: i32) -> (i32, i32) {
    %c0_i32 = arith.constant 0 : i32
    %c0_i32_0 = arith.constant 0 : i32
    return %c0_i32, %arg0 : i32, i32
  }
}

</mosaic_0001>

<sc_bundles>
// kernel: gather_offload_async_start
scs
__scs_entry_jumppad:
0x0: {  	(pc) =	sbr.rel $0x88, $3  }
0x1: {  	(tag) =	ssettag $0x0;
	lr =	simm.s32 $0x1  }
0x2: {  	[smem:$0x3F98] =	sst lr;
	_ =	strace $0xD0000000  }
0x3: {  	_ = 	snop  }
0x4: {  	_ = 	snop  }
0x5: {  	_ = 	snop  }
0x6: {  	_ = 	snop  }
0x7: {  	_ = 	snop  }
__scs_overlays_trampoline_lowered:
0x8: {  	[smem:$0x3FA7] =	sst s0  }
0x9: {  	[smem:$0x3FA8] =	sst s1  }
0xa: {  	[smem:$0x3FA9] =	sst s2  }
0xb: {  	[smem:$0x3FAA] =	sst s3  }
0xc: {  	[smem:$0x3FAB] =	sst s4  }
0xd: {  	[smem:$0x3FAC] =	sst s5  }
0xe: {  	[smem:$0x3FAD] =	sst s6  }
0xf: {  	[smem:$0x3FAE] =	sst s7  }
0x10: {  	[smem:$0x3FAF] =	sst s8  }
0x11: {  	[smem:$0x3FB0] =	sst s9;
	s0 =	simm.s32 @!p0 $0x0  }
0x12: {  	s1 =	sld [smem:$0x3F96];
	s0 =	simm.s32 @p0 $0x1  }
0x13: {  	[smem:$0x3FB1] =	sst s0;
	s0 =	simm.s32 @!p1 $0x0  }
0x14: {  	s2 =	sld [smem:$0x3F95];
	s0 =	simm.s32 @p1 $0x1  }
0x15: {  	[smem:$0x3FB2] =	sst s0;
	s0 =	simm.s32 @!p2 $0x0  }
0x16: {  	s3 =	sld [smem:$0x3FDB];
	s0 =	simm.s32 @p2 $0x1  }
0x17: {  	s4 =	simm.s32 $0x1BF5;
	[smem:$0x3FB4] =	sst s0  }
0x18: {  	s0 =	sld [smem:$0x3F97];
	_ =	swait.ge [sflag:s4], $0x0  }
0x19: {  	s7 =	sld [smem:$0x3F98]  }
0x1a: {  	s8 =	sadd.s32 $0xFFFFE003, lr  }
0x1b: {  	s9 =	sadd.s32 $0xFFFFFEF7, lr;
	s5 =	simm.s32 $0xFFFFFFFF;
	p2 =	slt.u32 s8, $0xFFFFF086  }
0x1c: {  	p1 =	slt.u32 s9, $0xF7A;
	s5 =	simm.s32 @!p2 $0x0  }
0x1d: {  	s5 =	simm.s32 @p1 $0x1;
	p0 =	seq.s32 s7, s2  }
0x1e: {  	s7 =	smul.u32 @!p0 $0xF7A, s2;
	p2 =	seq.s32 @!p0 s5, $0x0  }
0x1f: {  	s9 =	smul.u32 $0xF7A, s1;
	s8 =	simm.s32 @!p0 $0x1BF5;
	p2 =	por !p2, p0  }
0x20: {  	[sflag:s8] =	ssyncset.s32 @!p0 $0xFFFFF086;
	s6 =	sadd.s32 @!p0 s3, s7;
	s7 =	simm.s32 @!p0 $0x108  }
0x21: {  	s3 =	sadd.s32 s3, s9;
	s6 =	sadd.s32 @!p0 $0x88, s6;
	s7 =	simm.s32 @p2 $0x1082  }
0x22: {  	[simem:s7], [sflag:s8] =	dma.local @!p0 [hbm:s6], $0xF7A  }
0x23: {  	s9 =	sor.u32 $0xD0000000, s2;
	s6 =	simm.s32 $0x108;
	_ =	swait.ge @!p0 [sflag:s8], $0x0  }
0x24: {  	s3 =	sadd.s32 $0x88, s3;
	s6 =	simm.s32 @!p1 $0x1082;
	[sflag:s4] =	ssyncset.s32 $0xFFFFF086  }
0x25: {  	[simem:s6], [sflag:s4] =	dma.local [hbm:s3], $0xF7A  }
0x26: {  	[smem:$0x3F98] =	sst s1;
	(tag) =	ssettag s2;
	_ =	strace s9  }
0x27: {  	s1 =	sld [smem:$0x3FA8]  }
0x28: {  	s2 =	sld [smem:$0x3FA9]  }
0x29: {  	s4 =	sld [smem:$0x3FAB]  }
0x2a: {  	p0 =	seq.s32 s5, $0x0;
	s5 =	sld [smem:$0x3FAC]  }
0x2b: {  	s6 =	sld [smem:$0x3FAD]  }
0x2c: {  	s7 =	sld [smem:$0x3FAE]  }
0x2d: {  	s3 =	simm.s32 $0x108;
	s8 =	sld [smem:$0x3FAF]  }
0x2e: {  	s3 =	simm.s32 @!p0 $0x1082;
	s9 =	sld [smem:$0x3FB0]  }
0x2f: {  	lr =	sadd.s32 s0, s3;
	s0 =	sld [smem:$0x3FA7]  }
0x30: {  	s3 =	sld [smem:$0x3FAA]  }
0x31: {  	[smem:$0x3FB3] =	sst s10  }
0x32: {  	s10 =	sld [smem:$0x3FB1];
	_ =	sdelay $0x3  }
0x33: {  	p0 =	seq.s32 s10, $0x1;
	s10 =	sld [smem:$0x3FB3];
	_ =	sdelay $0x3  }
0x34: {  	[smem:$0x3FB3] =	sst s10  }
0x35: {  	s10 =	sld [smem:$0x3FB2];
	_ =	sdelay $0x3  }
0x36: {  	p1 =	seq.s32 s10, $0x1;
	s10 =	sld [smem:$0x3FB3];
	_ =	sdelay $0x3  }
0x37: {  	[smem:$0x3FB3] =	sst s10  }
0x38: {  	s10 =	sld [smem:$0x3FB4]  }
0x39: {  	_ = 	snop;
	(pc) =	sbr.ind lr, $3  }
0x3a: {  	_ = 	snop  }
0x3b: {  	_ = 	snop  }
0x3c: {  	p2 =	seq.s32 s10, $0x1;
	s10 =	sld [smem:$0x3FB3]  }
0x3d: {  	_ =	shalt  }
0x3e: {  	_ =	shalt  }
0x3f: {  	_ =	shalt  }
0x40: {  	_ =	shalt  }
0x41: {  	_ =	shalt  }
0x42: {  	_ =	shalt  }
0x43: {  	_ =	shalt  }
0x44: {  	_ =	shalt  }
0x45: {  	_ =	shalt  }
0x46: {  	_ =	shalt  }
0x47: {  	_ =	shalt  }
0x48: {  	_ =	shalt  }
0x49: {  	_ =	shalt  }
0x4a: {  	_ =	shalt  }
0x4b: {  	_ =	shalt  }
0x4c: {  	_ =	shalt  }
0x4d: {  	_ =	shalt  }
0x4e: {  	_ =	shalt  }
0x4f: {  	_ =	shalt  }
0x50: {  	_ =	shalt  }
0x51: {  	_ =	shalt  }
0x52: {  	_ =	shalt  }
0x53: {  	_ =	shalt  }
0x54: {  	_ =	shalt  }
0x55: {  	_ =	shalt  }
0x56: {  	_ =	shalt  }
0x57: {  	_ =	shalt  }
0x58: {  	_ =	shalt  }
0x59: {  	_ =	shalt  }
0x5a: {  	_ =	shalt  }
0x5b: {  	_ =	shalt  }
0x5c: {  	_ =	shalt  }
0x5d: {  	_ =	shalt  }
0x5e: {  	_ =	shalt  }
0x5f: {  	_ =	shalt  }
0x60: {  	_ =	shalt  }
0x61: {  	_ =	shalt  }
0x62: {  	_ =	shalt  }
0x63: {  	_ =	shalt  }
0x64: {  	_ =	shalt  }
0x65: {  	_ =	shalt  }
0x66: {  	_ =	shalt  }
0x67: {  	_ =	shalt  }
0x68: {  	_ =	shalt  }
0x69: {  	_ =	shalt  }
0x6a: {  	_ =	shalt  }
0x6b: {  	_ =	shalt  }
0x6c: {  	_ =	shalt  }
0x6d: {  	_ =	shalt  }
0x6e: {  	_ =	shalt  }
0x6f: {  	_ =	shalt  }
0x70: {  	_ =	shalt  }
0x71: {  	_ =	shalt  }
0x72: {  	_ =	shalt  }
0x73: {  	_ =	shalt  }
0x74: {  	_ =	shalt  }
0x75: {  	_ =	shalt  }
0x76: {  	_ =	shalt  }
0x77: {  	_ =	shalt  }
0x78: {  	_ =	shalt  }
0x79: {  	_ =	shalt  }
0x7a: {  	_ =	shalt  }
0x7b: {  	_ =	shalt  }
0x7c: {  	_ =	shalt  }
0x7d: {  	_ =	shalt  }
0x7e: {  	_ =	shalt  }
0x7f: {  	_ =	shalt  }
0x80: {  	_ =	shalt  }
0x81: {  	_ =	shalt  }
0x82: {  	_ =	shalt  }
0x83: {  	_ =	shalt  }
0x84: {  	_ =	shalt  }
0x85: {  	_ =	shalt  }
0x86: {  	_ =	shalt  }
0x87: {  	_ =	shalt  }
.Lfunc_end0:
.L_simem_size_0:
called_computation_lowered:
.L_overlay_start_0:
0x88: {  	s2 =	sld [smem:$0x3FD9]  }
0x89: {  	s3 =	sld [smem:$0x3FFE];
	_ =	sdelay $0x1  }
0x8a: {  	s1 =	srdreg.scid  }
0x8b: {  	s0 =	sand.u32 $0x1, s1  }
0x8c: {  	s16 =	sshll.u32 s0, $0xA;
	s2 =	sadd.s32 s3, s2  }
0x8d: {  	s2 =	sadd.s32 s2, s16  }
0x8e: {  	[smem:$0x3FBF] =	sst s2  }
0x8f: {  	_ = 	snop  }
0x90: {  	(tm) =	ssettm $0x1  }
0x91: {  	s17 =	sld [smem:$0x3FFB];
	_ =	sdelay $0x3  }
0x92: {  	_ =	strace s17  }
0x93: {  	s2 =	sld [smem:$0x3FFC];
	_ =	sdelay $0x3  }
0x94: {  	_ =	strace s2  }
0x95: {  	s2 =	sld [smem:$0x3FFD];
	_ =	sdelay $0x3  }
0x96: {  	_ =	strace s2  }
0x97: {  	_ =	strace $0x8FFFFFFF  }
0x98: {  	s18 =	sld [smem:$0x3FDB];
	_ =	sdelay $0x1  }
0x99: {  	s19 =	simm.s32 $_scs_section_size  }
0x9a: {  	s4 =	simm.s32 $_size__tile_overlayer_lowered;
	s5 =	simm.s32 $_tile_overlayer_lowered  }
0x9b: {  	s22 =	simm.s32 $0x1BFF;
	s21 =	sshll.u32 s5, $0x1;
	s2 =	sadd.s32 s19, s18  }
0x9c: {  	s6 =	simm.s32 $0x0;
	s20 =	sshll.u32 s4, $0x1;
	s4 =	sadd.s32 s21, s2  }
0x9d: {  	[timem:s6], [sflag:s22] =	dma.local [hbm:s4], s20  }
0x9e: {  	_ =	swait.ge [sflag:s22], s20  }
0x9f: {  	s3 =	ssub.s32 $0x0, s20;
	[sflag:s22] =	ssyncset.done $0x0  }
0xa0: {  	[sflag:s22] =	ssyncadd.s32 s3;
	_ =	sdelay $0x1  }
0xa1: {  	s23 =	simm.s32 $0x1B8B  }
0xa2: {  	_ =	swait.ge [sflag:s23], $0x1  }
0xa3: {  	[sflag:s23] =	ssyncset.done $0x0  }
0xa4: {  	s25 =	simm.s32 $0x1B8E;
	s24 =	sld [smem:$0x3FFE];
	[sflag:s23] =	ssyncadd.s32 $0xFFFFFFFF  }
0xa5: {  	s26 =	simm.s32 $execute0_lowered;
	[smem:$0x3FD2] =	sst s25  }
0xa6: {  	s4 =	sshll.u32 s26, $0x1;
	_ =	strace $0x80000049;
	[dreg:$0x1] =	wrdreg $0xFFFFFFFF  }
0xa7: {  	s28 =	simm.s32 $_size_execute0_lowered;
	s2 =	sadd.s32 s2, s4;
	[dreg:$0x0] =	wrdreg $0x0  }
0xa8: {  	s4 =	sshll.u32 s28, $0x1;
	[dreg:$0x2] =	wrdreg s2  }
0xa9: {  	[dreg:$0x3] =	wrdreg s4  }
0xaa: {  	[dreg:$0x4] =	wrdreg $0xC0  }
0xab: {  	_ =	task [dreg:s6], $0x5FFFF  }
0xac: {  	[dreg:$0x1] =	wrdreg $0xFFFFFFFF  }
0xad: {  	[dreg:$0x0] =	wrdreg $0x60  }
0xae: {  	[dreg:$0x2] =	wrdreg s24  }
0xaf: {  	[dreg:$0x3] =	wrdreg $0x9  }
0xb0: {  	_ =	task.clear_ibuf [dreg:s6], $0x4FFFF;
	_ =	strace $0x90000049  }
0xb1: {  	s29 =	simm.s32 $0x9;
	_ =	strace $0x8000004B  }
0xb2: {  	_ =	swait.ge [sflag:s29], $0x1  }
0xb3: {  	[sflag:s29] =	ssyncadd.s32 $0xFFFFFFFF  }
0xb4: {  	_ =	strace $0x9000004B  }
0xb5: {  	_ =	sfence  }
0xb6: {  	s30 =	sld [smem:$0x0];
	_ =	sdelay $0x2  }
0xb7: {  	s31 =	sshll.u32 s1, $0xD;
	s1 =	sshrl.u32 s1, $0x2  }
0xb8: {  	s3 =	sand.u32 $0x4000, s31;
	s1 =	sadd.s32 s1, s30  }
0xb9: {  	s0 =	sor.u32 s3, s0;
	s1 =	sshll.u32 s1, $0x11  }
0xba: {  	s0 =	sor.u32 s1, s0  }
0xbb: {  	s0 =	sadd.s32 $0x8F2B, s0  }
0xbc: {  	[sflag:s0] =	ssyncadd.remote.s32 $0x1  }
0xbd: {  	_ =	sfence.sel $0xFFFF  }
0xbe: {  	[dreg:$0x0] =	wrdreg $0xFFFFFFFF;
	(pc) =	sbr.abs _section_cstart, $3  }
0xbf: {  	[dreg:$0x1] =	wrdreg $0xFFFFFFFF  }
0xc0: {  	_ =	task.clear_ibuf [dreg:s6], $0x2FFFF;
	_ =	strace $0x9FFFFFFF  }
0xc1: {  	(tm) =	ssettm $0x7FFFFFFF  }
tec
execute0_lowered:
.L_overlay_start_1:
0x0: {  	(tag) =	ssettag $0x1  }
0x1: {  	s0 =	srdreg.scid;
	s5 =	rddreg [dreg:$0x0]  }
0x2: {  	s1 =	stileid.u32;
	s6 =	simm.s32 $0x1;
	s9 =	simm.s32 $0x1  }
0x3: {  	s10 =	simm.s32 $0x3;
	s13 =	simm.s32 $0x0;
	s2 =	sshll.u32 s0, $0x8  }
0x4: {  	s12 =	simm.s32 $0x0;
	s3 =	sshll.u32 s1, $0x9;
	s2 =	sand.u32 $0x100, s2  }
0x5: {  	s0 =	rddreg [dreg:$0x1];
	_ =	strace $0x8000004A;
	s2 =	sor.u32 s3, s2  }
0x6: {  	s4 =	sadd.s32 $0x3800, s5;
	[sflag:s6] =	ssyncpa.u1 $0x0;
	s8 =	ssub.s32 $0x4000, s2  }
.Ltmp0:
0x7: {  	s3 =	sadd.s32 $0x7E4800, s5;
	s7 =	sand.u32 $0x1F00, s8;
	(pc) =	sbr.rel .LBB2_1-.Ltmp0, $4  }
0x8: {  	s5 =	sadd.s32 $0x7C4800, s5;
	s11 =	smov.u32 s2;
	p0 =	sne.s32 s7, $0x0  }
0x9: {  	s8 =	sshrl.u32 s8, $0xD;
	s7 =	simm.s32 $0x2;
	s9 =	simm.s32 @!p0 $0x0  }
0xa: {  	[sflag:s7] =	ssyncpa.u1 $0x0;
	p0 =	por $0x0, $0x0;
	s8 =	sadd.s32 s9, s8  }
0xb: {  	vm0 =	vmmov $0xffff;
	[sflag:s10] =	ssyncpa.u1 $0x0;
	s10 =	simm.s32 $0x0;
	s9 =	sadd.s32 $0x1, s8  }
.LBB2_4:
0xc: {  	v2 =	vnsel vm1, $0x0, v2  }
0xd: {  	vm1 =	vgt.s32 v0, $0x0;
	v2 =	vmin.u32 v2, $0xF423F  }
0xe: {  	v0 =	vnsel vm1, $0x0, v0  }
0xf: {  	v0 =	vmin.u32 v0, $0xF423F  }
0x10: {  	[tilespmem:s15], [sflag:$0x1] =	stream.indirect_vreg.gather [hbm4b:s3+s10], $0x1, v1, vm0, $0x4038;
	[tilespmem:$0x400] =	vst v63  }
0x11: {  	(ifvalue) =	ssetifvalue $0x7FFFFFFF  }
0x12: {  	[tilespmem:s16], [sflag:$0x1] =	stream.indirect_vreg.gather [hbm4b:s3+s10], $0x1, v2, vm0, $0x4038;
	[tilespmem:$0x400] =	vst v63  }
0x13: {  	s29 =	sadd.s32 $0x10, s16;
	(ifvalue) =	ssetifvalue $0x7FFFFFFF  }
0x14: {  	[tilespmem:s29], [sflag:$0x1] =	stream.indirect_vreg.gather [hbm4b:s3+s10], $0x1, v0, vm0, $0x4038;
	[tilespmem:$0x400] =	vst v63  }
0x15: {  	_ =	swait.ge [sflag:s6], $0x100  }
0x16: {  	s30 =	sshrl.u32 s13, $0x3;
	[sflag:s6] =	ssyncset.done $0x0  }
0x17: {  	s31 =	sand.u32 $0x7, s13;
	s15 =	sadd.s32 s5, s30;
	[sflag:s6] =	ssyncadd.s32 $0xFFFFFF00  }
0x18: {  	[hbm4b:s15+s31] =	stream.linear.scatter [tilespmem:s14], [sflag:$0x3], $0x100, $0x38;
	[tilespmem:$0x400] =	vst v63  }
.LBB2_5:
0x19: {  	s15 =	sadd.s32 $0x2000, s11  }
0x1a: {  	p2 =	sgt.s32 s15, $0x3FFF  }
0x1b: {  	s15 =	smov.u32 @p2 s2;
	p2 =	sne.s32 s12, s9  }
.Ltmp1:
0x1c: {  	p1 =	slt.u32 s12, $0x2;
	(pc) =	sbr.rel @!p2 .LBB2_6-.Ltmp1, $4  }
0x1d: {  	s14 =	simm.s32 @!p1 $0x3  }
0x1e: {  	s16 =	sadd.s32 $0x1, s12;
	_ =	swait.ge @!p1 [sflag:s14], $0x100  }
0x1f: {  	s13 =	smov.u32 s11;
	p0 =	por !p0, !p0;
	[sflag:s14] =	ssyncset.done @!p1 $0x0  }
0x20: {  	s12 =	smov.u32 s16;
	s11 =	smov.u32 s15;
	[sflag:s14] =	ssyncadd.s32 @!p1 $0xFFFFFF00  }
.LBB2_1:
0x21: {  	p1 =	sge.u32 s12, s8  }
0x22: {  	s14 =	sxor.u32 @!p1 $0xFFFFFFFF, s12  }
0x23: {  	s31 =	sadd.s32 $0xFFFFFFFF, s12;
	s15 =	sshrl.u32 @!p1 s11, $0x3;
	s14 =	sshll.u32 @!p1 s14, $0x8  }
0x24: {  	s16 =	sand.u32 @!p1 $0x7, s11;
	s15 =	sadd.s32 @!p1 s4, s15;
	s14 =	sand.u32 @!p1 $0x100, s14  }
0x25: {  	[tilespmem:s14], [sflag:$0x2] =	stream.linear.gather @!p1 [hbm4b:s15+s16], $0x100, $0x38;
	[tilespmem:$0x400] =	vst v63  }
0x26: {  	p1 =	sge.u32 s31, s8  }
.Ltmp2:
0x27: {  	_ = 	snop;
	(pc) =	sbr.rel @p1 .LBB2_5-.Ltmp2, $1  }
0x28: {  	_ =	sdelay $0x3  }
0x29: {  	s14 =	simm.s32 $0x1  }
0x2a: {  	_ =	swait.ge [sflag:s7], $0x100;
	s14 =	simm.s32 @!p0 $0x0  }
0x2b: {  	[sflag:s7] =	ssyncset.done $0x0;
	s14 =	sshll.u32 s14, $0x8  }
0x2c: {  	[sflag:s7] =	ssyncadd.s32 $0xFFFFFF00;
	(ifvalue) =	ssetifvalue $0x7FFFFFFF;
	v0 =	vld.msk [tilespmem:s14+$0x0 ss:$0x1], $0xffff;
	_ =	sdelay $0x4  }
0x2d: {  	s15 =	sadd.s32 $0x10, s14;
	vm1 =	vgt.s32 v0, $0x0  }
0x2e: {  	v2 =	vld.msk [tilespmem:s15+$0x0 ss:$0x1], $0xffff;
	v1 =	vnsel vm1, $0x0, v0  }
0x2f: {  	v1 =	vmin.u32 v1, $0xF423F;
	_ =	sdelay $0x1  }
0x30: {  	s16 =	sshll.u32 s12, $0x8;
	s18 =	simm.s32 $0x20  }
0x31: {  	s16 =	sand.u32 $0x100, s16;
	s17 =	sadd.s32 $0x10, s15;
	s15 =	sor.u32 $0x200, s14  }
0x32: {  	s14 =	sor.u32 $0x200, s16;
	s16 =	sadd.s32 $0x10, s15;
	v0 =	vld.msk [tilespmem:s17+$0x0 ss:$0x1], $0xffff;
	vm1 =	vgt.s32 v2, $0x0;
	(ifvalue) =	ssetifvalue $0x7FFFFFFF  }
.LBB2_3:
0x33: {  	[tilespmem:s15], [sflag:$0x1] =	stream.indirect_vreg.gather [hbm4b:s3+s10], $0x1, v1, vm0, $0x4038;
	[tilespmem:$0x400] =	vst v63  }
0x34: {  	s18 =	sadd.s32 $0x10, s18  }
0x35: {  	v2 =	vnsel vm1, $0x0, v2;
	p1 =	slt.u32 s18, $0xF0  }
.Ltmp3:
0x36: {  	s15 =	smov.u32 s16;
	v1 =	vmin.u32 v2, $0xF423F;
	(pc) =	sbr.rel @p1 .LBB2_3-.Ltmp3, $3  }
0x37: {  	_ =	sdelay $0x1  }
0x38: {  	s17 =	sadd.s32 $0x10, s17  }
0x39: {  	vm1 =	vgt.s32 v0, $0x0;
	s16 =	sadd.s32 $0x10, s16;
	v2 =	vmov v0;
	(ifvalue) =	ssetifvalue $0x7FFFFFFF;
	v0 =	vld.msk [tilespmem:s17+$0x0 ss:$0x1], $0xffff  }
.Ltmp4:
0x3a: {  	_ = 	snop;
	(pc) =	sbr.rel .LBB2_4-.Ltmp4, $1  }
0x3b: {  	_ =	sdelay $0x3  }
.LBB2_6:
0x3c: {  	_ =	sfence.sel $0x180000  }
0x3d: {  	s2 =	simm.s32 $0x2;
	[bflag:$0x0] =	sbarrier.arrive $0xFFFF  }
0x3e: {  	s30 =	simm.s32 $0x3;
	[sflag:s2] =	ssyncpa.u1 $0x1  }
0x3f: {  	s31 =	simm.s32 $0x1;
	[sflag:s30] =	ssyncpa.u1 $0x1  }
0x40: {  	[sflag:s31] =	ssyncpa.u1 $0x1  }
0x41: {  	p0 =	sne.s32 s1, $0x0;
	_ =	strace $0x9000004A  }
0x42: {  	s0 =	sadd.s32 @!p0 $0x100000, s0;
	[bflag:$0x2] =	sbarrier.arrive $0xFFFF  }
0x43: {  	[sflag:s0] =	ssyncadd.tile.s32 @!p0 $0x1;
	_ =	shalt  }
.Lfunc_end2:
_tile_overlayer_lowered:
.L_overlay_start_2:
0x44: {  	(tag) =	ssettag $0x2  }
0x45: {  	s0 =	rddreg [dreg:$0x0];
	s2 =	stileid.u32  }
0x46: {  	s1 =	rddreg [dreg:$0x1];
	p0 =	sne.s32 s2, $0x0  }
0x47: {  	s3 =	rddreg [dreg:$0x2];
	[bflag:$0x3] =	sbarrier.arrive $0xFFFF;
	s2 =	simm.s32 @!p0 $0x1C01  }
0x48: {  	[timem:s3], [sflag:s2] =	dma.local @!p0 [hbm:s0], s1  }
0x49: {  	s0 =	simm.s32 @!p0 $0x1  }
0x4a: {  	_ =	swait.ge @!p0 [sflag:s0], s1  }
0x4b: {  	s1 =	ssub.s32 @!p0 $0x0, s1;
	[sflag:s0] =	ssyncset.done @!p0 $0x0  }
0x4c: {  	[sflag:s0] =	ssyncadd.s32 @!p0 s1  }
0x4d: {  	[bflag:$0x3] =	sbarrier.arrive $0xFFFF  }
0x4e: {  	_ =	shalt  }

// kernel: kernel.10.cloned.1.call-start
scs
__scs_entry_jumppad:
0x0: {  	(pc) =	sbr.rel $0x88, $3  }
0x1: {  	(tag) =	ssettag $0x0;
	lr =	simm.s32 $0x1  }
0x2: {  	[smem:$0x3F98] =	sst lr;
	_ =	strace $0xD0000000  }
0x3: {  	_ = 	snop  }
0x4: {  	_ = 	snop  }
0x5: {  	_ = 	snop  }
0x6: {  	_ = 	snop  }
0x7: {  	_ = 	snop  }
__scs_overlays_trampoline_lowered:
0x8: {  	[smem:$0x3FA7] =	sst s0  }
0x9: {  	[smem:$0x3FA8] =	sst s1  }
0xa: {  	[smem:$0x3FA9] =	sst s2  }
0xb: {  	[smem:$0x3FAA] =	sst s3  }
0xc: {  	[smem:$0x3FAB] =	sst s4  }
0xd: {  	[smem:$0x3FAC] =	sst s5  }
0xe: {  	[smem:$0x3FAD] =	sst s6  }
0xf: {  	[smem:$0x3FAE] =	sst s7  }
0x10: {  	[smem:$0x3FAF] =	sst s8  }
0x11: {  	[smem:$0x3FB0] =	sst s9;
	s0 =	simm.s32 @!p0 $0x0  }
0x12: {  	s1 =	sld [smem:$0x3F96];
	s0 =	simm.s32 @p0 $0x1  }
0x13: {  	[smem:$0x3FB1] =	sst s0;
	s0 =	simm.s32 @!p1 $0x0  }
0x14: {  	s2 =	sld [smem:$0x3F95];
	s0 =	simm.s32 @p1 $0x1  }
0x15: {  	[smem:$0x3FB2] =	sst s0;
	s0 =	simm.s32 @!p2 $0x0  }
0x16: {  	s3 =	sld [smem:$0x3FDB];
	s0 =	simm.s32 @p2 $0x1  }
0x17: {  	s4 =	simm.s32 $0x1BF5;
	[smem:$0x3FB4] =	sst s0  }
0x18: {  	s0 =	sld [smem:$0x3F97];
	_ =	swait.ge [sflag:s4], $0x0  }
0x19: {  	s7 =	sld [smem:$0x3F98]  }
0x1a: {  	s8 =	sadd.s32 $0xFFFFE003, lr  }
0x1b: {  	s9 =	sadd.s32 $0xFFFFFEF7, lr;
	s5 =	simm.s32 $0xFFFFFFFF;
	p2 =	slt.u32 s8, $0xFFFFF086  }
0x1c: {  	p1 =	slt.u32 s9, $0xF7A;
	s5 =	simm.s32 @!p2 $0x0  }
0x1d: {  	s5 =	simm.s32 @p1 $0x1;
	p0 =	seq.s32 s7, s2  }
0x1e: {  	s7 =	smul.u32 @!p0 $0xF7A, s2;
	p2 =	seq.s32 @!p0 s5, $0x0  }
0x1f: {  	s9 =	smul.u32 $0xF7A, s1;
	s8 =	simm.s32 @!p0 $0x1BF5;
	p2 =	por !p2, p0  }
0x20: {  	[sflag:s8] =	ssyncset.s32 @!p0 $0xFFFFF086;
	s6 =	sadd.s32 @!p0 s3, s7;
	s7 =	simm.s32 @!p0 $0x108  }
0x21: {  	s3 =	sadd.s32 s3, s9;
	s6 =	sadd.s32 @!p0 $0x88, s6;
	s7 =	simm.s32 @p2 $0x1082  }
0x22: {  	[simem:s7], [sflag:s8] =	dma.local @!p0 [hbm:s6], $0xF7A  }
0x23: {  	s9 =	sor.u32 $0xD0000000, s2;
	s6 =	simm.s32 $0x108;
	_ =	swait.ge @!p0 [sflag:s8], $0x0  }
0x24: {  	s3 =	sadd.s32 $0x88, s3;
	s6 =	simm.s32 @!p1 $0x1082;
	[sflag:s4] =	ssyncset.s32 $0xFFFFF086  }
0x25: {  	[simem:s6], [sflag:s4] =	dma.local [hbm:s3], $0xF7A  }
0x26: {  	[smem:$0x3F98] =	sst s1;
	(tag) =	ssettag s2;
	_ =	strace s9  }
0x27: {  	s1 =	sld [smem:$0x3FA8]  }
0x28: {  	s2 =	sld [smem:$0x3FA9]  }
0x29: {  	s4 =	sld [smem:$0x3FAB]  }
0x2a: {  	p0 =	seq.s32 s5, $0x0;
	s5 =	sld [smem:$0x3FAC]  }
0x2b: {  	s6 =	sld [smem:$0x3FAD]  }
0x2c: {  	s7 =	sld [smem:$0x3FAE]  }
0x2d: {  	s3 =	simm.s32 $0x108;
	s8 =	sld [smem:$0x3FAF]  }
0x2e: {  	s3 =	simm.s32 @!p0 $0x1082;
	s9 =	sld [smem:$0x3FB0]  }
0x2f: {  	lr =	sadd.s32 s0, s3;
	s0 =	sld [smem:$0x3FA7]  }
0x30: {  	s3 =	sld [smem:$0x3FAA]  }
0x31: {  	[smem:$0x3FB3] =	sst s10  }
0x32: {  	s10 =	sld [smem:$0x3FB1];
	_ =	sdelay $0x3  }
0x33: {  	p0 =	seq.s32 s10, $0x1;
	s10 =	sld [smem:$0x3FB3];
	_ =	sdelay $0x3  }
0x34: {  	[smem:$0x3FB3] =	sst s10  }
0x35: {  	s10 =	sld [smem:$0x3FB2];
	_ =	sdelay $0x3  }
0x36: {  	p1 =	seq.s32 s10, $0x1;
	s10 =	sld [smem:$0x3FB3];
	_ =	sdelay $0x3  }
0x37: {  	[smem:$0x3FB3] =	sst s10  }
0x38: {  	s10 =	sld [smem:$0x3FB4]  }
0x39: {  	_ = 	snop;
	(pc) =	sbr.ind lr, $3  }
0x3a: {  	_ = 	snop  }
0x3b: {  	_ = 	snop  }
0x3c: {  	p2 =	seq.s32 s10, $0x1;
	s10 =	sld [smem:$0x3FB3]  }
0x3d: {  	_ =	shalt  }
0x3e: {  	_ =	shalt  }
0x3f: {  	_ =	shalt  }
0x40: {  	_ =	shalt  }
0x41: {  	_ =	shalt  }
0x42: {  	_ =	shalt  }
0x43: {  	_ =	shalt  }
0x44: {  	_ =	shalt  }
0x45: {  	_ =	shalt  }
0x46: {  	_ =	shalt  }
0x47: {  	_ =	shalt  }
0x48: {  	_ =	shalt  }
0x49: {  	_ =	shalt  }
0x4a: {  	_ =	shalt  }
0x4b: {  	_ =	shalt  }
0x4c: {  	_ =	shalt  }
0x4d: {  	_ =	shalt  }
0x4e: {  	_ =	shalt  }
0x4f: {  	_ =	shalt  }
0x50: {  	_ =	shalt  }
0x51: {  	_ =	shalt  }
0x52: {  	_ =	shalt  }
0x53: {  	_ =	shalt  }
0x54: {  	_ =	shalt  }
0x55: {  	_ =	shalt  }
0x56: {  	_ =	shalt  }
0x57: {  	_ =	shalt  }
0x58: {  	_ =	shalt  }
0x59: {  	_ =	shalt  }
0x5a: {  	_ =	shalt  }
0x5b: {  	_ =	shalt  }
0x5c: {  	_ =	shalt  }
0x5d: {  	_ =	shalt  }
0x5e: {  	_ =	shalt  }
0x5f: {  	_ =	shalt  }
0x60: {  	_ =	shalt  }
0x61: {  	_ =	shalt  }
0x62: {  	_ =	shalt  }
0x63: {  	_ =	shalt  }
0x64: {  	_ =	shalt  }
0x65: {  	_ =	shalt  }
0x66: {  	_ =	shalt  }
0x67: {  	_ =	shalt  }
0x68: {  	_ =	shalt  }
0x69: {  	_ =	shalt  }
0x6a: {  	_ =	shalt  }
0x6b: {  	_ =	shalt  }
0x6c: {  	_ =	shalt  }
0x6d: {  	_ =	shalt  }
0x6e: {  	_ =	shalt  }
0x6f: {  	_ =	shalt  }
0x70: {  	_ =	shalt  }
0x71: {  	_ =	shalt  }
0x72: {  	_ =	shalt  }
0x73: {  	_ =	shalt  }
0x74: {  	_ =	shalt  }
0x75: {  	_ =	shalt  }
0x76: {  	_ =	shalt  }
0x77: {  	_ =	shalt  }
0x78: {  	_ =	shalt  }
0x79: {  	_ =	shalt  }
0x7a: {  	_ =	shalt  }
0x7b: {  	_ =	shalt  }
0x7c: {  	_ =	shalt  }
0x7d: {  	_ =	shalt  }
0x7e: {  	_ =	shalt  }
0x7f: {  	_ =	shalt  }
0x80: {  	_ =	shalt  }
0x81: {  	_ =	shalt  }
0x82: {  	_ =	shalt  }
0x83: {  	_ =	shalt  }
0x84: {  	_ =	shalt  }
0x85: {  	_ =	shalt  }
0x86: {  	_ =	shalt  }
0x87: {  	_ =	shalt  }
.Lfunc_end0:
.L_simem_size_0:
called_computation.2_lowered:
.L_overlay_start_0:
0x88: {  	s2 =	sld [smem:$0x3FD9]  }
0x89: {  	s3 =	sld [smem:$0x3FFE];
	_ =	sdelay $0x1  }
0x8a: {  	s1 =	srdreg.scid  }
0x8b: {  	s0 =	sand.u32 $0x1, s1  }
0x8c: {  	s14 =	sshll.u32 s0, $0xA;
	s2 =	sadd.s32 s3, s2  }
0x8d: {  	s2 =	sadd.s32 s2, s14  }
0x8e: {  	[smem:$0x3FBF] =	sst s2  }
0x8f: {  	_ = 	snop  }
0x90: {  	s2 =	sld [smem:$0x3FD0];
	_ =	sdelay $0x2  }
0x91: {  	s4 =	simm.s32 $0xA;
	s5 =	simm.s32 $0x10;
	s15 =	sld [smem:$0x3FC7]  }
0x92: {  	[smem:s5], [sflag:s4] =	dma.local [hbm:s2], $0x1  }
0x93: {  	_ =	swait.eq [sflag:s4], $0x1  }
0x94: {  	[sflag:s4] =	ssyncset.done $0x0  }
0x95: {  	s16 =	sld [smem:$0x10];
	[sflag:s4] =	ssyncadd.s32 $0xFFFFFFFF  }
0x96: {  	s17 =	sld [smem:$0x11];
	(tm) =	ssettm $0x1  }
0x97: {  	s18 =	sld [smem:$0x3FFB];
	_ =	sdelay $0x3  }
0x98: {  	_ =	strace s18  }
0x99: {  	s5 =	sld [smem:$0x3FFC];
	_ =	sdelay $0x3  }
0x9a: {  	_ =	strace s5  }
0x9b: {  	s5 =	sld [smem:$0x3FFD];
	_ =	sdelay $0x3  }
0x9c: {  	_ =	strace s5  }
0x9d: {  	_ =	strace $0x8FFFFFFF  }
0x9e: {  	s19 =	sld [smem:$0x3FDB];
	_ =	sdelay $0x1  }
0x9f: {  	s6 =	simm.s32 $_scs_section_size  }
0xa0: {  	s7 =	simm.s32 $_size__tile_overlayer_lowered;
	s8 =	simm.s32 $_tile_overlayer_lowered  }
0xa1: {  	s22 =	simm.s32 $0x1BFF;
	s21 =	sshll.u32 s8, $0x1;
	s5 =	sadd.s32 s6, s19  }
0xa2: {  	s9 =	simm.s32 $0x0;
	s20 =	sshll.u32 s7, $0x1;
	s7 =	sadd.s32 s21, s5  }
0xa3: {  	[timem:s9], [sflag:s22] =	dma.local [hbm:s7], s20  }
0xa4: {  	_ =	swait.ge [sflag:s22], s20  }
0xa5: {  	s6 =	ssub.s32 $0x0, s20;
	[sflag:s22] =	ssyncset.done $0x0  }
0xa6: {  	[sflag:s22] =	ssyncadd.s32 s6;
	_ =	sdelay $0x1  }
0xa7: {  	s23 =	simm.s32 $0x1B8B  }
0xa8: {  	_ =	swait.ge [sflag:s23], $0x1  }
0xa9: {  	[sflag:s23] =	ssyncset.done $0x0  }
0xaa: {  	s25 =	simm.s32 $0x1B8E;
	s24 =	sld [smem:$0x3FFE];
	[sflag:s23] =	ssyncadd.s32 $0xFFFFFFFF  }
0xab: {  	s26 =	simm.s32 $execute0_lowered;
	[smem:$0x3FD2] =	sst s25  }
0xac: {  	s7 =	sshll.u32 s26, $0x1;
	_ =	strace $0x8000004C;
	[dreg:$0x1] =	wrdreg $0xFFFFFFFF  }
0xad: {  	s28 =	simm.s32 $_size_execute0_lowered;
	s5 =	sadd.s32 s5, s7;
	[dreg:$0x0] =	wrdreg $0x0  }
0xae: {  	s7 =	sshll.u32 s28, $0x1;
	[dreg:$0x2] =	wrdreg s5  }
0xaf: {  	[dreg:$0x3] =	wrdreg s7  }
0xb0: {  	[dreg:$0x4] =	wrdreg $0xC0  }
0xb1: {  	_ =	task [dreg:s9], $0x5FFFF  }
0xb2: {  	[dreg:$0x1] =	wrdreg $0xFFFFFFFF  }
0xb3: {  	[dreg:$0x0] =	wrdreg $0x60  }
0xb4: {  	[dreg:$0x2] =	wrdreg s24  }
0xb5: {  	[dreg:$0x3] =	wrdreg s15  }
0xb6: {  	[dreg:$0x4] =	wrdreg s16  }
0xb7: {  	[dreg:$0x5] =	wrdreg s17  }
0xb8: {  	[dreg:$0x6] =	wrdreg $0x9  }
0xb9: {  	_ =	task.clear_ibuf [dreg:s9], $0x7FFFF;
	_ =	strace $0x9000004C  }
0xba: {  	s29 =	simm.s32 $0x9;
	_ =	strace $0x8000004E  }
0xbb: {  	_ =	swait.ge [sflag:s29], $0x1  }
0xbc: {  	[sflag:s29] =	ssyncadd.s32 $0xFFFFFFFF  }
0xbd: {  	_ =	strace $0x9000004E  }
0xbe: {  	_ =	sfence  }
0xbf: {  	s30 =	sld [smem:$0x0];
	_ =	sdelay $0x2  }
0xc0: {  	s31 =	sshll.u32 s1, $0xD;
	s1 =	sshrl.u32 s1, $0x2  }
0xc1: {  	s3 =	sand.u32 $0x4000, s31;
	s1 =	sadd.s32 s1, s30  }
0xc2: {  	s0 =	sor.u32 s3, s0;
	s1 =	sshll.u32 s1, $0x11  }
0xc3: {  	s0 =	sor.u32 s1, s0  }
0xc4: {  	s0 =	sadd.s32 $0x8F2B, s0  }
0xc5: {  	[sflag:s0] =	ssyncadd.remote.s32 $0x1  }
0xc6: {  	_ =	sfence.sel $0xFFFF  }
0xc7: {  	[dreg:$0x0] =	wrdreg $0xFFFFFFFF;
	(pc) =	sbr.abs _section_cstart, $3  }
0xc8: {  	[dreg:$0x1] =	wrdreg $0xFFFFFFFF  }
0xc9: {  	_ =	task.clear_ibuf [dreg:s9], $0x2FFFF;
	_ =	strace $0x9FFFFFFF  }
0xca: {  	(tm) =	ssettm $0x7FFFFFFF  }
0xcb: {  	_ =	shalt  }
tec
execute0_lowered:
.L_overlay_start_1:
0x0: {  	(tag) =	ssettag $0x1  }
0x1: {  	s16 =	rddreg [dreg:$0x0]  }
0x2: {  	s7 =	rddreg [dreg:$0x1];
	s1 =	srdreg.scid  }
0x3: {  	s2 =	rddreg [dreg:$0x2];
	s0 =	stileid.u32;
	s23 =	sand.u32 $0x1, s1  }
0x4: {  	s3 =	rddreg [dreg:$0x3];
	s5 =	sshll.u32 s0, $0x7;
	s6 =	sshll.u32 s23, $0x6  }
0x5: {  	s4 =	simm.s32 $0x0;
	s1 =	rddreg [dreg:$0x4];
	s8 =	sor.u32 s6, s5  }
0x6: {  	[smem:$0x7FF] =	sst s4;
	s9 =	sadd.s32 s8, s16  }
0x7: {  	_ =	strace $0x8000004D;
	s6 =	simm.s32 $0x2;
	s5 =	sadd.s32 $0x4000, s9  }
0x8: {  	[tilespmem:s4], [sflag:$0x2] =	stream.linear.gather [hbm4b:s5+s4], $0x200, $0x38;
	[tilespmem:$0x2680] =	vst v63  }
0x9: {  	_ =	swait.ge [sflag:s6], $0x200  }
0xa: {  	[sflag:s6] =	ssyncset.done $0x0  }
0xb: {  	s7 =	sadd.s32 s7, s8;
	s8 =	simm.s32 $0x200;
	[sflag:s6] =	ssyncadd.s32 $0xFFFFFE00  }
0xc: {  	[tilespmem:s8], [sflag:$0x2] =	stream.linear.gather [hbm4b:s7+s4], $0x200, $0x38;
	[tilespmem:$0x2680] =	vst v63  }
0xd: {  	_ =	swait.ge [sflag:s6], $0x200  }
0xe: {  	[sflag:s6] =	ssyncset.done $0x0  }
0xf: {  	s10 =	simm.s32 $0x400;
	s9 =	sadd.s32 $0x7C4800, s9;
	[sflag:s6] =	ssyncadd.s32 $0xFFFFFE00  }
0x10: {  	[tilespmem:s10], [sflag:$0x2] =	stream.linear.gather [hbm4b:s9+s4], $0x200, $0x38;
	[tilespmem:$0x2680] =	vst v63  }
0x11: {  	_ =	swait.ge [sflag:s6], $0x200  }
0x12: {  	[sflag:s6] =	ssyncset.done $0x0  }
0x13: {  	s12 =	simm.s32 $0x2600;
	s11 =	sadd.s32 $0x3800, s16;
	[sflag:s6] =	ssyncadd.s32 $0xFFFFFE00  }
0x14: {  	[tilespmem:s12], [sflag:$0x2] =	stream.linear.gather [hbm4b:s11+s4], $0x80, $0x38;
	[tilespmem:$0x2680] =	vst v63  }
0x15: {  	_ =	swait.ge [sflag:s6], $0x80  }
0x16: {  	s13 =	simm.s32 $0x80;
	[sflag:s6] =	ssyncset.done $0x0  }
0x17: {  	s15 =	simm.s32 $0x600;
	s14 =	simm.s32 $0x1;
	[sflag:s6] =	ssyncadd.s32 $0xFFFFFF80  }
0x18: {  	[tilespmem:s15], [sflag:$0x1] =	stream.indirect.gather [hbm4b:s2+s13], $0x40, s10, s13, $0xb8;
	[tilespmem:$0x2680] =	vst v63  }
0x19: {  	_ =	swait.ge [sflag:s14], $0x2000  }
0x1a: {  	[sflag:s14] =	ssyncset.done $0x0  }
0x1b: {  	s16 =	sadd.s32 $0x4800, s16;
	[sflag:s14] =	ssyncadd.s32 $0xFFFFE000  }
0x1c: {  	[hbm4b:s16+s13] =	stream.indirect.scatter [tilespmem:s15], [sflag:$0x1], $0x40, s4, s13, $0xb8;
	[tilespmem:$0x2680] =	vst v63  }
0x1d: {  	_ =	swait.ge [sflag:s14], $0x2000  }
0x1e: {  	[sflag:s14] =	ssyncset.done $0x0  }
0x1f: {  	[sflag:s14] =	ssyncadd.s32 $0xFFFFE000  }
0x20: {  	[hbm4b:s3+s13] =	stream.indirect.scatter [tilespmem:s12], [sflag:$0x1], $0x1, s8, s13, $0xb8;
	[tilespmem:$0x2680] =	vst v63  }
0x21: {  	_ =	swait.ge [sflag:s14], $0x80  }
0x22: {  	[sflag:s14] =	ssyncset.done $0x0  }
0x23: {  	s17 =	simm.s32 $0x480;
	[sflag:s14] =	ssyncadd.s32 $0xFFFFFF80  }
0x24: {  	[tilespmem:s15], [sflag:$0x1] =	stream.indirect.gather [hbm4b:s2+s13], $0x40, s17, s13, $0xb8;
	[tilespmem:$0x2680] =	vst v63  }
0x25: {  	_ =	swait.ge [sflag:s14], $0x2000  }
0x26: {  	[sflag:s14] =	ssyncset.done $0x0  }
0x27: {  	[sflag:s14] =	ssyncadd.s32 $0xFFFFE000  }
0x28: {  	[hbm4b:s16+s13] =	stream.indirect.scatter [tilespmem:s15], [sflag:$0x1], $0x40, s13, s13, $0xb8;
	[tilespmem:$0x2680] =	vst v63  }
0x29: {  	_ =	swait.ge [sflag:s14], $0x2000  }
0x2a: {  	[sflag:s14] =	ssyncset.done $0x0  }
0x2b: {  	s18 =	simm.s32 $0x280;
	[sflag:s14] =	ssyncadd.s32 $0xFFFFE000  }
0x2c: {  	[hbm4b:s3+s13] =	stream.indirect.scatter [tilespmem:s12], [sflag:$0x1], $0x1, s18, s13, $0xb8;
	[tilespmem:$0x2680] =	vst v63  }
0x2d: {  	_ =	swait.ge [sflag:s14], $0x80  }
0x2e: {  	[sflag:s14] =	ssyncset.done $0x0  }
0x2f: {  	s19 =	simm.s32 $0x500;
	[sflag:s14] =	ssyncadd.s32 $0xFFFFFF80  }
0x30: {  	[tilespmem:s15], [sflag:$0x1] =	stream.indirect.gather [hbm4b:s2+s13], $0x40, s19, s13, $0xb8;
	[tilespmem:$0x2680] =	vst v63  }
0x31: {  	_ =	swait.ge [sflag:s14], $0x2000  }
0x32: {  	[sflag:s14] =	ssyncset.done $0x0  }
0x33: {  	s20 =	simm.s32 $0x100;
	[sflag:s14] =	ssyncadd.s32 $0xFFFFE000  }
0x34: {  	[hbm4b:s16+s13] =	stream.indirect.scatter [tilespmem:s15], [sflag:$0x1], $0x40, s20, s13, $0xb8;
	[tilespmem:$0x2680] =	vst v63  }
0x35: {  	_ =	swait.ge [sflag:s14], $0x2000  }
0x36: {  	[sflag:s14] =	ssyncset.done $0x0  }
0x37: {  	s21 =	simm.s32 $0x300;
	[sflag:s14] =	ssyncadd.s32 $0xFFFFE000  }
0x38: {  	[hbm4b:s3+s13] =	stream.indirect.scatter [tilespmem:s12], [sflag:$0x1], $0x1, s21, s13, $0xb8;
	[tilespmem:$0x2680] =	vst v63  }
0x39: {  	_ =	swait.ge [sflag:s14], $0x80  }
0x3a: {  	[sflag:s14] =	ssyncset.done $0x0  }
0x3b: {  	s22 =	simm.s32 $0x580;
	s24 =	ssub.s32 $0x2, s23;
	[sflag:s14] =	ssyncadd.s32 $0xFFFFFF80  }
0x3c: {  	[tilespmem:s15], [sflag:$0x1] =	stream.indirect.gather [hbm4b:s2+s13], $0x40, s22, s13, $0xb8;
	[tilespmem:$0x2680] =	vst v63  }
0x3d: {  	s25 =	sshrl.u32 s24, $0x1;
	_ =	swait.ge [sflag:s14], $0x2000  }
0x3e: {  	s24 =	ssub.s32 s24, s25;
	[sflag:s14] =	ssyncset.done $0x0  }
0x3f: {  	s23 =	simm.s32 $0x180;
	s25 =	smax.u32 s24, $0x1;
	[sflag:s14] =	ssyncadd.s32 $0xFFFFE000  }
0x40: {  	[hbm4b:s16+s13] =	stream.indirect.scatter [tilespmem:s15], [sflag:$0x1], $0x40, s23, s13, $0xb8;
	[tilespmem:$0x2680] =	vst v63  }
0x41: {  	p0 =	sne.s32 s25, $0x1;
	_ =	swait.ge [sflag:s14], $0x2000  }
.Ltmp0:
0x42: {  	[sflag:s14] =	ssyncset.done $0x0;
	(pc) =	sbr.rel @!p0 .LBB2_2-.Ltmp0, $4  }
0x43: {  	s24 =	simm.s32 $0x380;
	[sflag:s14] =	ssyncadd.s32 $0xFFFFE000  }
0x44: {  	[hbm4b:s3+s13] =	stream.indirect.scatter [tilespmem:s12], [sflag:$0x1], $0x1, s24, s13, $0xb8;
	[tilespmem:$0x2680] =	vst v63  }
0x45: {  	_ =	swait.ge [sflag:s14], $0x80  }
0x46: {  	s25 =	sadd.s32 $0xFFFFFFFF, s25;
	[sflag:s14] =	ssyncset.done $0x0  }
.LBB2_1:
0x47: {  	p0 =	sne.s32 s25, $0x1;
	s25 =	sadd.s32 $0xFFFFFFFF, s25;
	[sflag:s14] =	ssyncadd.s32 $0xFFFFFF80  }
0x48: {  	[tilespmem:s4], [sflag:$0x2] =	stream.linear.gather [hbm4b:s5+s4], $0x200, $0x38;
	[tilespmem:$0x2680] =	vst v63  }
0x49: {  	_ =	swait.ge [sflag:s6], $0x200  }
0x4a: {  	[sflag:s6] =	ssyncset.done $0x0  }
0x4b: {  	[sflag:s6] =	ssyncadd.s32 $0xFFFFFE00  }
0x4c: {  	[tilespmem:s8], [sflag:$0x2] =	stream.linear.gather [hbm4b:s7+s4], $0x200, $0x38;
	[tilespmem:$0x2680] =	vst v63  }
0x4d: {  	_ =	swait.ge [sflag:s6], $0x200  }
0x4e: {  	[sflag:s6] =	ssyncset.done $0x0  }
0x4f: {  	[sflag:s6] =	ssyncadd.s32 $0xFFFFFE00  }
0x50: {  	[tilespmem:s10], [sflag:$0x2] =	stream.linear.gather [hbm4b:s9+s4], $0x200, $0x38;
	[tilespmem:$0x2680] =	vst v63  }
0x51: {  	_ =	swait.ge [sflag:s6], $0x200  }
0x52: {  	[sflag:s6] =	ssyncset.done $0x0  }
0x53: {  	[sflag:s6] =	ssyncadd.s32 $0xFFFFFE00  }
0x54: {  	[tilespmem:s12], [sflag:$0x2] =	stream.linear.gather [hbm4b:s11+s4], $0x80, $0x38;
	[tilespmem:$0x2680] =	vst v63  }
0x55: {  	_ =	swait.ge [sflag:s6], $0x80  }
0x56: {  	[sflag:s6] =	ssyncset.done $0x0  }
0x57: {  	[sflag:s6] =	ssyncadd.s32 $0xFFFFFF80  }
0x58: {  	[tilespmem:s15], [sflag:$0x1] =	stream.indirect.gather [hbm4b:s2+s13], $0x40, s10, s13, $0xb8;
	[tilespmem:$0x2680] =	vst v63  }
0x59: {  	_ =	swait.ge [sflag:s14], $0x2000  }
0x5a: {  	[sflag:s14] =	ssyncset.done $0x0  }
0x5b: {  	[sflag:s14] =	ssyncadd.s32 $0xFFFFE000  }
0x5c: {  	[hbm4b:s16+s13] =	stream.indirect.scatter [tilespmem:s15], [sflag:$0x1], $0x40, s4, s13, $0xb8;
	[tilespmem:$0x2680] =	vst v63  }
0x5d: {  	_ =	swait.ge [sflag:s14], $0x2000  }
0x5e: {  	[sflag:s14] =	ssyncset.done $0x0  }
0x5f: {  	[sflag:s14] =	ssyncadd.s32 $0xFFFFE000  }
0x60: {  	[hbm4b:s3+s13] =	stream.indirect.scatter [tilespmem:s12], [sflag:$0x1], $0x1, s8, s13, $0xb8;
	[tilespmem:$0x2680] =	vst v63  }
0x61: {  	_ =	swait.ge [sflag:s14], $0x80  }
0x62: {  	[sflag:s14] =	ssyncset.done $0x0  }
0x63: {  	[sflag:s14] =	ssyncadd.s32 $0xFFFFFF80  }
0x64: {  	[tilespmem:s15], [sflag:$0x1] =	stream.indirect.gather [hbm4b:s2+s13], $0x40, s17, s13, $0xb8;
	[tilespmem:$0x2680] =	vst v63  }
0x65: {  	_ =	swait.ge [sflag:s14], $0x2000  }
0x66: {  	[sflag:s14] =	ssyncset.done $0x0  }
0x67: {  	[sflag:s14] =	ssyncadd.s32 $0xFFFFE000  }
0x68: {  	[hbm4b:s16+s13] =	stream.indirect.scatter [tilespmem:s15], [sflag:$0x1], $0x40, s13, s13, $0xb8;
	[tilespmem:$0x2680] =	vst v63  }
0x69: {  	_ =	swait.ge [sflag:s14], $0x2000  }
0x6a: {  	[sflag:s14] =	ssyncset.done $0x0  }
0x6b: {  	[sflag:s14] =	ssyncadd.s32 $0xFFFFE000  }
0x6c: {  	[hbm4b:s3+s13] =	stream.indirect.scatter [tilespmem:s12], [sflag:$0x1], $0x1, s18, s13, $0xb8;
	[tilespmem:$0x2680] =	vst v63  }
0x6d: {  	_ =	swait.ge [sflag:s14], $0x80  }
0x6e: {  	[sflag:s14] =	ssyncset.done $0x0  }
0x6f: {  	[sflag:s14] =	ssyncadd.s32 $0xFFFFFF80  }
0x70: {  	[tilespmem:s15], [sflag:$0x1] =	stream.indirect.gather [hbm4b:s2+s13], $0x40, s19, s13, $0xb8;
	[tilespmem:$0x2680] =	vst v63  }
0x71: {  	_ =	swait.ge [sflag:s14], $0x2000  }
0x72: {  	[sflag:s14] =	ssyncset.done $0x0  }
0x73: {  	[sflag:s14] =	ssyncadd.s32 $0xFFFFE000  }
0x74: {  	[hbm4b:s16+s13] =	stream.indirect.scatter [tilespmem:s15], [sflag:$0x1], $0x40, s20, s13, $0xb8;
	[tilespmem:$0x2680] =	vst v63  }
0x75: {  	_ =	swait.ge [sflag:s14], $0x2000  }
0x76: {  	[sflag:s14] =	ssyncset.done $0x0  }
0x77: {  	[sflag:s14] =	ssyncadd.s32 $0xFFFFE000  }
0x78: {  	[hbm4b:s3+s13] =	stream.indirect.scatter [tilespmem:s12], [sflag:$0x1], $0x1, s21, s13, $0xb8;
	[tilespmem:$0x2680] =	vst v63  }
0x79: {  	_ =	swait.ge [sflag:s14], $0x80  }
0x7a: {  	[sflag:s14] =	ssyncset.done $0x0  }
0x7b: {  	[sflag:s14] =	ssyncadd.s32 $0xFFFFFF80  }
0x7c: {  	[tilespmem:s15], [sflag:$0x1] =	stream.indirect.gather [hbm4b:s2+s13], $0x40, s22, s13, $0xb8;
	[tilespmem:$0x2680] =	vst v63  }
0x7d: {  	_ =	swait.ge [sflag:s14], $0x2000  }
0x7e: {  	[sflag:s14] =	ssyncset.done $0x0  }
0x7f: {  	[sflag:s14] =	ssyncadd.s32 $0xFFFFE000  }
0x80: {  	[hbm4b:s16+s13] =	stream.indirect.scatter [tilespmem:s15], [sflag:$0x1], $0x40, s23, s13, $0xb8;
	[tilespmem:$0x2680] =	vst v63  }
0x81: {  	_ =	swait.ge [sflag:s14], $0x2000  }
.Ltmp1:
0x82: {  	[sflag:s14] =	ssyncset.done $0x0;
	(pc) =	sbr.rel @p0 .LBB2_1-.Ltmp1, $4  }
0x83: {  	[sflag:s14] =	ssyncadd.s32 $0xFFFFE000  }
0x84: {  	[hbm4b:s3+s13] =	stream.indirect.scatter [tilespmem:s12], [sflag:$0x1], $0x1, s24, s13, $0xb8;
	[tilespmem:$0x2680] =	vst v63  }
0x85: {  	_ =	swait.ge [sflag:s14], $0x80  }
0x86: {  	[sflag:s14] =	ssyncset.done $0x0  }
.LBB2_2:
0x87: {  	[sflag:s14] =	ssyncadd.s32 $0xFFFFFF80  }
0x88: {  	_ =	sfence.sel $0x180000  }
0x89: {  	[bflag:$0x0] =	sbarrier.arrive $0xFFFF  }
0x8a: {  	p0 =	sne.s32 s0, $0x0;
	_ =	strace $0x9000004D  }
0x8b: {  	s0 =	sadd.s32 @!p0 $0x100000, s1;
	[bflag:$0x2] =	sbarrier.arrive $0xFFFF  }
0x8c: {  	[sflag:s0] =	ssyncadd.tile.s32 @!p0 $0x1;
	_ =	shalt  }
.Lfunc_end2:
_tile_overlayer_lowered:
.L_overlay_start_2:
0x8d: {  	(tag) =	ssettag $0x2  }
0x8e: {  	s0 =	rddreg [dreg:$0x0];
	s2 =	stileid.u32  }
0x8f: {  	s1 =	rddreg [dreg:$0x1];
	p0 =	sne.s32 s2, $0x0  }
0x90: {  	s3 =	rddreg [dreg:$0x2];
	[bflag:$0x3] =	sbarrier.arrive $0xFFFF;
	s2 =	simm.s32 @!p0 $0x1C02  }
0x91: {  	[timem:s3], [sflag:s2] =	dma.local @!p0 [hbm:s0], s1  }
0x92: {  	s0 =	simm.s32 @!p0 $0x2  }
0x93: {  	_ =	swait.ge @!p0 [sflag:s0], s1  }
0x94: {  	s1 =	ssub.s32 @!p0 $0x0, s1;
	[sflag:s0] =	ssyncset.done @!p0 $0x0  }
0x95: {  	[sflag:s0] =	ssyncadd.s32 @!p0 s1  }
0x96: {  	[bflag:$0x3] =	sbarrier.arrive $0xFFFF  }
0x97: {  	_ =	shalt  }

// kernel: kernel.7.cloned.1.call-start
scs
__scs_entry_jumppad:
0x0: {  	(pc) =	sbr.rel $0x88, $3  }
0x1: {  	(tag) =	ssettag $0x0;
	lr =	simm.s32 $0x1  }
0x2: {  	[smem:$0x3F98] =	sst lr;
	_ =	strace $0xD0000000  }
0x3: {  	_ = 	snop  }
0x4: {  	_ = 	snop  }
0x5: {  	_ = 	snop  }
0x6: {  	_ = 	snop  }
0x7: {  	_ = 	snop  }
__scs_overlays_trampoline_lowered:
0x8: {  	[smem:$0x3FA7] =	sst s0  }
0x9: {  	[smem:$0x3FA8] =	sst s1  }
0xa: {  	[smem:$0x3FA9] =	sst s2  }
0xb: {  	[smem:$0x3FAA] =	sst s3  }
0xc: {  	[smem:$0x3FAB] =	sst s4  }
0xd: {  	[smem:$0x3FAC] =	sst s5  }
0xe: {  	[smem:$0x3FAD] =	sst s6  }
0xf: {  	[smem:$0x3FAE] =	sst s7  }
0x10: {  	[smem:$0x3FAF] =	sst s8  }
0x11: {  	[smem:$0x3FB0] =	sst s9;
	s0 =	simm.s32 @!p0 $0x0  }
0x12: {  	s1 =	sld [smem:$0x3F96];
	s0 =	simm.s32 @p0 $0x1  }
0x13: {  	[smem:$0x3FB1] =	sst s0;
	s0 =	simm.s32 @!p1 $0x0  }
0x14: {  	s2 =	sld [smem:$0x3F95];
	s0 =	simm.s32 @p1 $0x1  }
0x15: {  	[smem:$0x3FB2] =	sst s0;
	s0 =	simm.s32 @!p2 $0x0  }
0x16: {  	s3 =	sld [smem:$0x3FDB];
	s0 =	simm.s32 @p2 $0x1  }
0x17: {  	s4 =	simm.s32 $0x1BF5;
	[smem:$0x3FB4] =	sst s0  }
0x18: {  	s0 =	sld [smem:$0x3F97];
	_ =	swait.ge [sflag:s4], $0x0  }
0x19: {  	s7 =	sld [smem:$0x3F98]  }
0x1a: {  	s8 =	sadd.s32 $0xFFFFE003, lr  }
0x1b: {  	s9 =	sadd.s32 $0xFFFFFEF7, lr;
	s5 =	simm.s32 $0xFFFFFFFF;
	p2 =	slt.u32 s8, $0xFFFFF086  }
0x1c: {  	p1 =	slt.u32 s9, $0xF7A;
	s5 =	simm.s32 @!p2 $0x0  }
0x1d: {  	s5 =	simm.s32 @p1 $0x1;
	p0 =	seq.s32 s7, s2  }
0x1e: {  	s7 =	smul.u32 @!p0 $0xF7A, s2;
	p2 =	seq.s32 @!p0 s5, $0x0  }
0x1f: {  	s9 =	smul.u32 $0xF7A, s1;
	s8 =	simm.s32 @!p0 $0x1BF5;
	p2 =	por !p2, p0  }
0x20: {  	[sflag:s8] =	ssyncset.s32 @!p0 $0xFFFFF086;
	s6 =	sadd.s32 @!p0 s3, s7;
	s7 =	simm.s32 @!p0 $0x108  }
0x21: {  	s3 =	sadd.s32 s3, s9;
	s6 =	sadd.s32 @!p0 $0x88, s6;
	s7 =	simm.s32 @p2 $0x1082  }
0x22: {  	[simem:s7], [sflag:s8] =	dma.local @!p0 [hbm:s6], $0xF7A  }
0x23: {  	s9 =	sor.u32 $0xD0000000, s2;
	s6 =	simm.s32 $0x108;
	_ =	swait.ge @!p0 [sflag:s8], $0x0  }
0x24: {  	s3 =	sadd.s32 $0x88, s3;
	s6 =	simm.s32 @!p1 $0x1082;
	[sflag:s4] =	ssyncset.s32 $0xFFFFF086  }
0x25: {  	[simem:s6], [sflag:s4] =	dma.local [hbm:s3], $0xF7A  }
0x26: {  	[smem:$0x3F98] =	sst s1;
	(tag) =	ssettag s2;
	_ =	strace s9  }
0x27: {  	s1 =	sld [smem:$0x3FA8]  }
0x28: {  	s2 =	sld [smem:$0x3FA9]  }
0x29: {  	s4 =	sld [smem:$0x3FAB]  }
0x2a: {  	p0 =	seq.s32 s5, $0x0;
	s5 =	sld [smem:$0x3FAC]  }
0x2b: {  	s6 =	sld [smem:$0x3FAD]  }
0x2c: {  	s7 =	sld [smem:$0x3FAE]  }
0x2d: {  	s3 =	simm.s32 $0x108;
	s8 =	sld [smem:$0x3FAF]  }
0x2e: {  	s3 =	simm.s32 @!p0 $0x1082;
	s9 =	sld [smem:$0x3FB0]  }
0x2f: {  	lr =	sadd.s32 s0, s3;
	s0 =	sld [smem:$0x3FA7]  }
0x30: {  	s3 =	sld [smem:$0x3FAA]  }
0x31: {  	[smem:$0x3FB3] =	sst s10  }
0x32: {  	s10 =	sld [smem:$0x3FB1];
	_ =	sdelay $0x3  }
0x33: {  	p0 =	seq.s32 s10, $0x1;
	s10 =	sld [smem:$0x3FB3];
	_ =	sdelay $0x3  }
0x34: {  	[smem:$0x3FB3] =	sst s10  }
0x35: {  	s10 =	sld [smem:$0x3FB2];
	_ =	sdelay $0x3  }
0x36: {  	p1 =	seq.s32 s10, $0x1;
	s10 =	sld [smem:$0x3FB3];
	_ =	sdelay $0x3  }
0x37: {  	[smem:$0x3FB3] =	sst s10  }
0x38: {  	s10 =	sld [smem:$0x3FB4]  }
0x39: {  	_ = 	snop;
	(pc) =	sbr.ind lr, $3  }
0x3a: {  	_ = 	snop  }
0x3b: {  	_ = 	snop  }
0x3c: {  	p2 =	seq.s32 s10, $0x1;
	s10 =	sld [smem:$0x3FB3]  }
0x3d: {  	_ =	shalt  }
0x3e: {  	_ =	shalt  }
0x3f: {  	_ =	shalt  }
0x40: {  	_ =	shalt  }
0x41: {  	_ =	shalt  }
0x42: {  	_ =	shalt  }
0x43: {  	_ =	shalt  }
0x44: {  	_ =	shalt  }
0x45: {  	_ =	shalt  }
0x46: {  	_ =	shalt  }
0x47: {  	_ =	shalt  }
0x48: {  	_ =	shalt  }
0x49: {  	_ =	shalt  }
0x4a: {  	_ =	shalt  }
0x4b: {  	_ =	shalt  }
0x4c: {  	_ =	shalt  }
0x4d: {  	_ =	shalt  }
0x4e: {  	_ =	shalt  }
0x4f: {  	_ =	shalt  }
0x50: {  	_ =	shalt  }
0x51: {  	_ =	shalt  }
0x52: {  	_ =	shalt  }
0x53: {  	_ =	shalt  }
0x54: {  	_ =	shalt  }
0x55: {  	_ =	shalt  }
0x56: {  	_ =	shalt  }
0x57: {  	_ =	shalt  }
0x58: {  	_ =	shalt  }
0x59: {  	_ =	shalt  }
0x5a: {  	_ =	shalt  }
0x5b: {  	_ =	shalt  }
0x5c: {  	_ =	shalt  }
0x5d: {  	_ =	shalt  }
0x5e: {  	_ =	shalt  }
0x5f: {  	_ =	shalt  }
0x60: {  	_ =	shalt  }
0x61: {  	_ =	shalt  }
0x62: {  	_ =	shalt  }
0x63: {  	_ =	shalt  }
0x64: {  	_ =	shalt  }
0x65: {  	_ =	shalt  }
0x66: {  	_ =	shalt  }
0x67: {  	_ =	shalt  }
0x68: {  	_ =	shalt  }
0x69: {  	_ =	shalt  }
0x6a: {  	_ =	shalt  }
0x6b: {  	_ =	shalt  }
0x6c: {  	_ =	shalt  }
0x6d: {  	_ =	shalt  }
0x6e: {  	_ =	shalt  }
0x6f: {  	_ =	shalt  }
0x70: {  	_ =	shalt  }
0x71: {  	_ =	shalt  }
0x72: {  	_ =	shalt  }
0x73: {  	_ =	shalt  }
0x74: {  	_ =	shalt  }
0x75: {  	_ =	shalt  }
0x76: {  	_ =	shalt  }
0x77: {  	_ =	shalt  }
0x78: {  	_ =	shalt  }
0x79: {  	_ =	shalt  }
0x7a: {  	_ =	shalt  }
0x7b: {  	_ =	shalt  }
0x7c: {  	_ =	shalt  }
0x7d: {  	_ =	shalt  }
0x7e: {  	_ =	shalt  }
0x7f: {  	_ =	shalt  }
0x80: {  	_ =	shalt  }
0x81: {  	_ =	shalt  }
0x82: {  	_ =	shalt  }
0x83: {  	_ =	shalt  }
0x84: {  	_ =	shalt  }
0x85: {  	_ =	shalt  }
0x86: {  	_ =	shalt  }
0x87: {  	_ =	shalt  }
.Lfunc_end0:
.L_simem_size_0:
called_computation.1_lowered:
.L_overlay_start_0:
0x88: {  	s2 =	sld [smem:$0x3FD9]  }
0x89: {  	s3 =	sld [smem:$0x3FFE];
	_ =	sdelay $0x1  }
0x8a: {  	s1 =	srdreg.scid  }
0x8b: {  	s0 =	sand.u32 $0x1, s1  }
0x8c: {  	s16 =	sshll.u32 s0, $0xA;
	s2 =	sadd.s32 s3, s2  }
0x8d: {  	s2 =	sadd.s32 s2, s16  }
0x8e: {  	[smem:$0x3FBF] =	sst s2  }
0x8f: {  	_ = 	snop  }
0x90: {  	(tm) =	ssettm $0x1  }
0x91: {  	s17 =	sld [smem:$0x3FFB];
	_ =	sdelay $0x3  }
0x92: {  	_ =	strace s17  }
0x93: {  	s2 =	sld [smem:$0x3FFC];
	_ =	sdelay $0x3  }
0x94: {  	_ =	strace s2  }
0x95: {  	s2 =	sld [smem:$0x3FFD];
	_ =	sdelay $0x3  }
0x96: {  	_ =	strace s2  }
0x97: {  	_ =	strace $0x8FFFFFFF  }
0x98: {  	s18 =	sld [smem:$0x3FDB];
	_ =	sdelay $0x1  }
0x99: {  	s19 =	simm.s32 $_scs_section_size  }
0x9a: {  	s4 =	simm.s32 $_size__tile_overlayer_lowered;
	s5 =	simm.s32 $_tile_overlayer_lowered  }
0x9b: {  	s22 =	simm.s32 $0x1BFF;
	s21 =	sshll.u32 s5, $0x1;
	s2 =	sadd.s32 s19, s18  }
0x9c: {  	s6 =	simm.s32 $0x0;
	s20 =	sshll.u32 s4, $0x1;
	s4 =	sadd.s32 s21, s2  }
0x9d: {  	[timem:s6], [sflag:s22] =	dma.local [hbm:s4], s20  }
0x9e: {  	_ =	swait.ge [sflag:s22], s20  }
0x9f: {  	s3 =	ssub.s32 $0x0, s20;
	[sflag:s22] =	ssyncset.done $0x0  }
0xa0: {  	[sflag:s22] =	ssyncadd.s32 s3;
	_ =	sdelay $0x1  }
0xa1: {  	s23 =	simm.s32 $0x1B8B  }
0xa2: {  	_ =	swait.ge [sflag:s23], $0x1  }
0xa3: {  	[sflag:s23] =	ssyncset.done $0x0  }
0xa4: {  	s25 =	simm.s32 $0x1B8E;
	s24 =	sld [smem:$0x3FFE];
	[sflag:s23] =	ssyncadd.s32 $0xFFFFFFFF  }
0xa5: {  	s26 =	simm.s32 $execute0_lowered;
	[smem:$0x3FD2] =	sst s25  }
0xa6: {  	s4 =	sshll.u32 s26, $0x1;
	_ =	strace $0x80000046;
	[dreg:$0x1] =	wrdreg $0xFFFFFFFF  }
0xa7: {  	s28 =	simm.s32 $_size_execute0_lowered;
	s2 =	sadd.s32 s2, s4;
	[dreg:$0x0] =	wrdreg $0x0  }
0xa8: {  	s4 =	sshll.u32 s28, $0x1;
	[dreg:$0x2] =	wrdreg s2  }
0xa9: {  	[dreg:$0x3] =	wrdreg s4  }
0xaa: {  	[dreg:$0x4] =	wrdreg $0xC0  }
0xab: {  	_ =	task [dreg:s6], $0x5FFFF  }
0xac: {  	[dreg:$0x1] =	wrdreg $0xFFFFFFFF  }
0xad: {  	[dreg:$0x0] =	wrdreg $0x60  }
0xae: {  	[dreg:$0x2] =	wrdreg s24  }
0xaf: {  	[dreg:$0x3] =	wrdreg $0x9  }
0xb0: {  	_ =	task.clear_ibuf [dreg:s6], $0x4FFFF;
	_ =	strace $0x90000046  }
0xb1: {  	s29 =	simm.s32 $0x9;
	_ =	strace $0x80000048  }
0xb2: {  	_ =	swait.ge [sflag:s29], $0x1  }
0xb3: {  	[sflag:s29] =	ssyncadd.s32 $0xFFFFFFFF  }
0xb4: {  	_ =	strace $0x90000048  }
0xb5: {  	_ =	sfence  }
0xb6: {  	s30 =	sld [smem:$0x0];
	_ =	sdelay $0x2  }
0xb7: {  	s31 =	sshll.u32 s1, $0xD;
	s1 =	sshrl.u32 s1, $0x2  }
0xb8: {  	s3 =	sand.u32 $0x4000, s31;
	s1 =	sadd.s32 s1, s30  }
0xb9: {  	s0 =	sor.u32 s3, s0;
	s1 =	sshll.u32 s1, $0x11  }
0xba: {  	s0 =	sor.u32 s1, s0  }
0xbb: {  	s0 =	sadd.s32 $0x8F2B, s0  }
0xbc: {  	[sflag:s0] =	ssyncadd.remote.s32 $0x1  }
0xbd: {  	_ =	sfence.sel $0xFFFF  }
0xbe: {  	[dreg:$0x0] =	wrdreg $0xFFFFFFFF;
	(pc) =	sbr.abs _section_cstart, $3  }
0xbf: {  	[dreg:$0x1] =	wrdreg $0xFFFFFFFF  }
0xc0: {  	_ =	task.clear_ibuf [dreg:s6], $0x2FFFF;
	_ =	strace $0x9FFFFFFF  }
0xc1: {  	(tm) =	ssettm $0x7FFFFFFF  }
tec
execute0_lowered:
.L_overlay_start_1:
0x0: {  	(tag) =	ssettag $0x1  }
0x1: {  	s1 =	srdreg.scid;
	s0 =	stileid.u32  }
0x2: {  	s14 =	sand.u32 $0x1, s1;
	s29 =	sshll.u32 s0, $0x1  }
0x3: {  	s15 =	rddreg [dreg:$0x0];
	s16 =	sor.u32 s14, s29  }
0x4: {  	s2 =	simm.s32 $0x0;
	s1 =	rddreg [dreg:$0x1];
	s3 =	sshll.u32 s16, $0x6  }
0x5: {  	[smem:$0x7FF] =	sst s2;
	s3 =	sadd.s32 s3, s15  }
0x6: {  	_ =	strace $0x80000047;
	s4 =	sadd.s32 $0x4000, s3;
	s3 =	simm.s32 $0x2  }
0x7: {  	[tilespmem:s2], [sflag:$0x2] =	stream.linear.gather [hbm4b:s4+s2], $0x200, $0x38;
	[tilespmem:$0x8200] =	vst v63  }
0x8: {  	_ =	swait.ge [sflag:s3], $0x200  }
0x9: {  	s6 =	simm.s32 $0x80;
	[sflag:s3] =	ssyncset.done $0x0  }
0xa: {  	s7 =	simm.s32 $0x200;
	s5 =	sadd.s32 $0x4800, s15;
	[sflag:s3] =	ssyncadd.s32 $0xFFFFFE00  }
0xb: {  	[tilespmem:s7], [sflag:$0x1] =	stream.indirect.gather [hbm4b:s5+s6], $0x40, s2, s6, $0xb8;
	[tilespmem:$0x8200] =	vst v63  }
0xc: {  	s8 =	simm.s32 $0x2200  }
0xd: {  	[tilespmem:s8], [sflag:$0x1] =	stream.indirect.gather [hbm4b:s5+s6], $0x40, s6, s6, $0xb8;
	[tilespmem:$0x8200] =	vst v63  }
0xe: {  	s9 =	simm.s32 $0x100;
	s10 =	simm.s32 $0x4200  }
0xf: {  	[tilespmem:s10], [sflag:$0x1] =	stream.indirect.gather [hbm4b:s5+s6], $0x40, s9, s6, $0xb8;
	[tilespmem:$0x8200] =	vst v63  }
0x10: {  	s11 =	simm.s32 $0x180;
	s12 =	simm.s32 $0x6200;
	s13 =	simm.s32 $0x1  }
0x11: {  	[tilespmem:s12], [sflag:$0x1] =	stream.indirect.gather [hbm4b:s5+s6], $0x40, s11, s6, $0xb8;
	[tilespmem:$0x8200] =	vst v63  }
0x12: {  	_ =	swait.ge [sflag:s13], $0x2000  }
0x13: {  	[sflag:s13] =	ssyncset.done $0x0  }
0x14: {  	[sflag:s13] =	ssyncadd.s32 $0xFFFFE000  }
0x15: {  	_ =	swait.ge [sflag:s13], $0x2000  }
0x16: {  	[sflag:s13] =	ssyncset.done $0x0  }
0x17: {  	s14 =	ssub.s32 $0x2, s14;
	[sflag:s13] =	ssyncadd.s32 $0xFFFFE000  }
0x18: {  	s17 =	sshrl.u32 s14, $0x1;
	_ =	swait.ge [sflag:s13], $0x2000  }
0x19: {  	s30 =	ssub.s32 s14, s17;
	[sflag:s13] =	ssyncset.done $0x0  }
0x1a: {  	s31 =	smax.u32 s30, $0x1;
	[sflag:s13] =	ssyncadd.s32 $0xFFFFE000  }
0x1b: {  	s16 =	sshll.u32 s16, $0xC;
	p0 =	sne.s32 s31, $0x1;
	_ =	swait.ge [sflag:s13], $0x2000  }
.Ltmp0:
0x1c: {  	s15 =	sadd.s32 s16, s15;
	[sflag:s13] =	ssyncset.done $0x0;
	(pc) =	sbr.rel @!p0 .LBB2_2-.Ltmp0, $4  }
0x1d: {  	s14 =	sadd.s32 $0x7C4800, s15;
	[sflag:s13] =	ssyncadd.s32 $0xFFFFE000  }
0x1e: {  	[hbm4b:s14+s2] =	stream.linear.scatter [tilespmem:s7], [sflag:$0x2], $0x8000, $0x38;
	[tilespmem:$0x8200] =	vst v63  }
0x1f: {  	_ =	swait.ge [sflag:s3], $0x8000  }
0x20: {  	s15 =	sadd.s32 $0xFFFFFFFF, s31;
	[sflag:s3] =	ssyncset.done $0x0  }
.LBB2_1:
0x21: {  	p0 =	sne.s32 s15, $0x1;
	s15 =	sadd.s32 $0xFFFFFFFF, s15;
	[sflag:s3] =	ssyncadd.s32 $0xFFFF8000  }
0x22: {  	[tilespmem:s2], [sflag:$0x2] =	stream.linear.gather [hbm4b:s4+s2], $0x200, $0x38;
	[tilespmem:$0x8200] =	vst v63  }
0x23: {  	_ =	swait.ge [sflag:s3], $0x200  }
0x24: {  	[sflag:s3] =	ssyncset.done $0x0  }
0x25: {  	[sflag:s3] =	ssyncadd.s32 $0xFFFFFE00  }
0x26: {  	[tilespmem:s7], [sflag:$0x1] =	stream.indirect.gather [hbm4b:s5+s6], $0x40, s2, s6, $0xb8;
	[tilespmem:$0x8200] =	vst v63  }
0x27: {  	_ = 	snop  }
0x28: {  	[tilespmem:s8], [sflag:$0x1] =	stream.indirect.gather [hbm4b:s5+s6], $0x40, s6, s6, $0xb8;
	[tilespmem:$0x8200] =	vst v63  }
0x29: {  	_ = 	snop  }
0x2a: {  	[tilespmem:s10], [sflag:$0x1] =	stream.indirect.gather [hbm4b:s5+s6], $0x40, s9, s6, $0xb8;
	[tilespmem:$0x8200] =	vst v63  }
0x2b: {  	_ = 	snop  }
0x2c: {  	[tilespmem:s12], [sflag:$0x1] =	stream.indirect.gather [hbm4b:s5+s6], $0x40, s11, s6, $0xb8;
	[tilespmem:$0x8200] =	vst v63  }
0x2d: {  	_ =	swait.ge [sflag:s13], $0x2000  }
0x2e: {  	[sflag:s13] =	ssyncset.done $0x0  }
0x2f: {  	[sflag:s13] =	ssyncadd.s32 $0xFFFFE000  }
0x30: {  	_ =	swait.ge [sflag:s13], $0x2000  }
0x31: {  	[sflag:s13] =	ssyncset.done $0x0  }
0x32: {  	[sflag:s13] =	ssyncadd.s32 $0xFFFFE000  }
0x33: {  	_ =	swait.ge [sflag:s13], $0x2000  }
0x34: {  	[sflag:s13] =	ssyncset.done $0x0  }
0x35: {  	[sflag:s13] =	ssyncadd.s32 $0xFFFFE000  }
0x36: {  	_ =	swait.ge [sflag:s13], $0x2000  }
.Ltmp1:
0x37: {  	[sflag:s13] =	ssyncset.done $0x0;
	(pc) =	sbr.rel @p0 .LBB2_1-.Ltmp1, $4  }
0x38: {  	[sflag:s13] =	ssyncadd.s32 $0xFFFFE000  }
0x39: {  	[hbm4b:s14+s2] =	stream.linear.scatter [tilespmem:s7], [sflag:$0x2], $0x8000, $0x38;
	[tilespmem:$0x8200] =	vst v63  }
0x3a: {  	_ =	swait.ge [sflag:s3], $0x8000  }
0x3b: {  	[sflag:s3] =	ssyncset.done $0x0  }
.LBB2_2:
0x3c: {  	[sflag:s3] =	ssyncadd.s32 $0xFFFF8000  }
0x3d: {  	_ =	sfence.sel $0x180000  }
0x3e: {  	[bflag:$0x0] =	sbarrier.arrive $0xFFFF  }
0x3f: {  	p0 =	sne.s32 s0, $0x0;
	_ =	strace $0x90000047  }
0x40: {  	s0 =	sadd.s32 @!p0 $0x100000, s1;
	[bflag:$0x2] =	sbarrier.arrive $0xFFFF  }
0x41: {  	[sflag:s0] =	ssyncadd.tile.s32 @!p0 $0x1;
	_ =	shalt  }
.Lfunc_end2:
_tile_overlayer_lowered:
.L_overlay_start_2:
0x42: {  	(tag) =	ssettag $0x2  }
0x43: {  	s0 =	rddreg [dreg:$0x0];
	s2 =	stileid.u32  }
0x44: {  	s1 =	rddreg [dreg:$0x1];
	p0 =	sne.s32 s2, $0x0  }
0x45: {  	s3 =	rddreg [dreg:$0x2];
	[bflag:$0x3] =	sbarrier.arrive $0xFFFF;
	s2 =	simm.s32 @!p0 $0x1C02  }
0x46: {  	[timem:s3], [sflag:s2] =	dma.local @!p0 [hbm:s0], s1  }
0x47: {  	s0 =	simm.s32 @!p0 $0x2  }
0x48: {  	_ =	swait.ge @!p0 [sflag:s0], s1  }
0x49: {  	s1 =	ssub.s32 @!p0 $0x0, s1;
	[sflag:s0] =	ssyncset.done @!p0 $0x0  }
0x4a: {  	[sflag:s0] =	ssyncadd.s32 @!p0 s1  }
0x4b: {  	[bflag:$0x3] =	sbarrier.arrive $0xFFFF  }
0x4c: {  	_ =	shalt  }

</sc_bundles>
